<compile_context>
chip_gen: v7x
topology: tpu7x:2x2x1
jax: 0.10.2.dev20260603
libtpu: 0.0.44.dev20260713+nightly
codegen_flags: <defaults>
</compile_context>

<pallas_src>
import functools

import jax
import jax.numpy as jnp
from jax import lax
from jax.experimental import pallas as pl
from jax.experimental.pallas import tpu as pltpu
from jax.experimental.pallas import tpu_sc as plsc

B = 4096
L = 200
D = 60
DP = 64
NC = 2
NS = 16
NW = NC * NS
RPW = B // NW
QOFF = (0, 56, 112, 168)
QCNT = (56, 56, 56, 32)
QROWS = 56


def _pool_body(x3_hbm, tbl_hbm, out_hbm, idx_v, buf0, buf1, stage, sem0, sem1):
    wid = lax.axis_index("s") * NC + lax.axis_index("c")
    pltpu.sync_copy(x3_hbm.at[wid], idx_v)

    zero = jnp.zeros((16,), jnp.float32)

    def zero_buf(buf):
        def zrow(r, carry):
            buf[r, pl.ds(0, 16)] = zero
            buf[r, pl.ds(16, 16)] = zero
            buf[r, pl.ds(32, 16)] = zero
            buf[r, pl.ds(48, 16)] = zero
            return carry

        lax.fori_loop(0, QROWS, zrow, 0)

    def fire(row, buf, sem):
        for off, cnt in zip(QOFF, QCNT):
            pltpu.async_copy(
                tbl_hbm.at[idx_v.at[row, pl.ds(off, cnt)]],
                buf.at[pl.ds(0, cnt)], sem, add=True)

    def drain(row, buf, sem):
        for off, cnt in zip(QOFF, QCNT):
            pltpu.make_async_copy(
                tbl_hbm.at[idx_v.at[row, pl.ds(off, cnt)]],
                buf.at[pl.ds(0, cnt)], sem).wait()

    def accum(buf, row):
        def body(i, accs):
            a0, a1, a2, a3 = accs
            a0 = a0 + buf[i, pl.ds(0, 16)]
            a1 = a1 + buf[i, pl.ds(16, 16)]
            a2 = a2 + buf[i, pl.ds(32, 16)]
            a3 = a3 + buf[i, pl.ds(48, 16)]
            buf[i, pl.ds(0, 16)] = zero
            buf[i, pl.ds(16, 16)] = zero
            buf[i, pl.ds(32, 16)] = zero
            buf[i, pl.ds(48, 16)] = zero
            return a0, a1, a2, a3

        a0, a1, a2, a3 = lax.fori_loop(0, QROWS, body, (zero, zero, zero, zero))
        stage[row, pl.ds(0, 16)] = a0
        stage[row, pl.ds(16, 16)] = a1
        stage[row, pl.ds(32, 16)] = a2
        stage[row, pl.ds(48, 16)] = a3

    zero_buf(buf0)
    zero_buf(buf1)
    fire(0, buf0, sem0)
    fire(1, buf1, sem1)

    def outer(g, carry):
        b0 = 2 * g
        drain(b0, buf0, sem0)
        accum(buf0, b0)

        @pl.when(g < RPW // 2 - 1)
        def _():
            fire(b0 + 2, buf0, sem0)

        drain(b0 + 1, buf1, sem1)
        accum(buf1, b0 + 1)

        @pl.when(g < RPW // 2 - 1)
        def _():
            fire(b0 + 3, buf1, sem1)

        return carry

    lax.fori_loop(0, RPW // 2, outer, 0)
    pltpu.sync_copy(stage, out_hbm.at[wid])


_pool = functools.partial(
    pl.kernel,
    out_type=jax.ShapeDtypeStruct((NW, RPW, DP), jnp.float32),
    mesh=plsc.VectorSubcoreMesh(core_axis_name="c", subcore_axis_name="s"),
    compiler_params=pltpu.CompilerParams(use_tc_tiling_on_sc=False),
    scratch_types=[
        pltpu.VMEM((RPW, L), jnp.int32),
        pltpu.VMEM((QROWS, DP), jnp.float32),
        pltpu.VMEM((QROWS, DP), jnp.float32),
        pltpu.VMEM((RPW, DP), jnp.float32),
        pltpu.SemaphoreType.DMA,
        pltpu.SemaphoreType.DMA,
    ],
)(_pool_body)


def _mlp_body(p_ref, il_ref, w2_ref, b2_ref, w1_ref, b1_ref, o_ref):
    x = p_ref[...].reshape(BT, DP) / il_ref[...]
    h = jnp.dot(x, w2_ref[...], preferred_element_type=jnp.float32) + b2_ref[...]
    h = jnp.maximum(h, 0.0)
    o_ref[...] = jnp.dot(h, w1_ref[...], preferred_element_type=jnp.float32) + b1_ref[...]


BT = 512


def _mlp(pooled, lenf, w2p, b2r, w1t, b1r):
    return pl.pallas_call(
        _mlp_body,
        grid=(B // BT,),
        in_specs=[
            pl.BlockSpec((BT // RPW, RPW, DP), lambda i: (i, 0, 0)),
            pl.BlockSpec((BT, 1), lambda i: (i, 0)),
            pl.BlockSpec((DP, D), lambda i: (0, 0)),
            pl.BlockSpec((1, D), lambda i: (0, 0)),
            pl.BlockSpec((D, D), lambda i: (0, 0)),
            pl.BlockSpec((1, D), lambda i: (0, 0)),
        ],
        out_specs=pl.BlockSpec((BT, D), lambda i: (i, 0)),
        out_shape=jax.ShapeDtypeStruct((B, D), jnp.float32),
    )(pooled, lenf, w2p, b2r, w1t, b1r)


def kernel(x, lengths, table, W2, b2, W1, b1):
    x3 = (x.astype(jnp.int32) * 2).reshape(NW, RPW, L)
    tbl = jnp.pad(table, ((0, 0), (0, 128 - D))).reshape(-1, DP)
    pooled = _pool(x3, tbl)
    lenf = lengths.astype(jnp.float32).reshape(B, 1)
    w2p = jnp.concatenate([W2.T, jnp.zeros((DP - D, D), jnp.float32)], axis=0)
    return _mlp(pooled, lenf, w2p, b2.reshape(1, D), W1.T, b1.reshape(1, D))

# --- scband reference (transcript-rebuilt; emitter-appended) ---
"""Pipeline reference for scband-baseline-dnn-70703751627288 (READ-ONLY COPY).

The authoritative reference and input builder live on the scoring server;
editing this copy changes nothing except your own understanding.
"""

import jax, jax.numpy as jnp
import numpy as np

VOCAB = 100000
EMB_DIM = 60
B = 4096
L = 200
HIDDEN = 60
OUT = 60


def setup_inputs(seed: int = 0) -> dict:
    key = jax.random.key(seed)
    k1, k2, k3, k4, k5 = jax.random.split(key, 5)
    x = jax.random.randint(k1, (B, L), 0, VOCAB)
    lengths = jax.random.randint(k2, (B,), 1, L + 1)
    table = jax.random.normal(k3, (VOCAB, EMB_DIM), dtype=jnp.float32)
    # linear2 = nn.Linear(60, output_size)  -> weight [OUT, HIDDEN]
    W2 = jax.random.normal(k4, (OUT, HIDDEN), dtype=jnp.float32) * 0.05
    b2 = jnp.zeros((OUT,), dtype=jnp.float32)
    # linear1 = nn.Linear(EMB_DIM, 60)      -> weight [HIDDEN, EMB_DIM]
    W1 = jax.random.normal(k5, (HIDDEN, EMB_DIM), dtype=jnp.float32) * 0.05
    b1 = jnp.zeros((HIDDEN,), dtype=jnp.float32)
    return {"x": x, "lengths": lengths, "table": table, "W2": W2, "b2": b2, "W1": W1, "b1": b1}


def reference(x, lengths, table, W2, b2, W1, b1):
    # embeddings = self.embed_l(x)
    embeddings = jnp.take(table, x, axis=0)            # [B, L, EMB_DIM]
    # representations = torch.sum(embeddings, dim=1)
    representations = jnp.sum(embeddings, axis=1)      # [B, EMB_DIM]
    # per-row division by lengths (the original loop)
    representations = representations / lengths.astype(representations.dtype)[:, None]
    # forward applies linear2 first (as written in the original module)
    representations = representations @ W2.T + b2
    representations = jax.nn.relu(representations)
    # then linear1 produces the logits
    logits = representations @ W1.T + b1
    return logits

if __name__ == "__main__":
    import jax
    _d = setup_inputs()
    print(jax.jit(kernel)(*tuple(_d.values())))

</pallas_src>

<mosaic_0001>
#map = affine_map<(d0, d1) -> (0, 0, 0)>
#map1 = affine_map<(d0, d1) -> (0, 0)>
module attributes {stable_mosaic.version = 14 : i64} {
  func.func @_pool_body(%arg0: i32, %arg1: i32, %arg2: memref<32x128x200xi32, #tpu.memory_space<hbm>>, %arg3: memref<200000x64xf32, #tpu.memory_space<hbm>>, %arg4: memref<32x128x64xf32, #tpu.memory_space<hbm>>, %arg5: memref<128x200xi32, #tpu.memory_space<vmem>>, %arg6: memref<56x64xf32, #tpu.memory_space<vmem>>, %arg7: memref<56x64xf32, #tpu.memory_space<vmem>>, %arg8: memref<128x64xf32, #tpu.memory_space<vmem>>, %arg9: memref<!tpu.dma_semaphore, #tpu.memory_space<semaphore_mem>>, %arg10: memref<!tpu.dma_semaphore, #tpu.memory_space<semaphore_mem>>) attributes {dimension_semantics = [#tpu.dimension_semantics<core_parallel>, #tpu.dimension_semantics<subcore_parallel>], iteration_bounds = array<i64: 2, 16>, scalar_prefetch = 0 : i64, scratch_operands = 6 : i64, tpu.core_type = #tpu.core_type<sc_vector_subcore>, window_params = [{transform_indices = #map}, {transform_indices = #map1}, {transform_indices = #map}]} {
    %mul3A = arith.constant 2 : i32
    %mul3A_0 = arith.muli %arg1, %mul3A : i32
    %add3A = arith.addi %mul3A_0, %arg0 : i32
    "tpu.region"() ({
      %run_scoped3A = tpu.sem_alloc : memref<!tpu.dma_semaphore, #tpu.memory_space<semaphore_mem>>
      %dma_start3A_98 = arith.constant 0 : i32
      %dma_start3A_99 = arith.constant 0 : i32
      %dma_start3A_100 = tpu.memref_slice %arg2[%add3A, %dma_start3A_98, %dma_start3A_99] : memref<32x128x200xi32, #tpu.memory_space<hbm>> -> memref<1x128x200xi32, #tpu.memory_space<hbm>>
      %dma_start3A_101 = tpu.memref_squeeze %dma_start3A_100 : memref<1x128x200xi32, #tpu.memory_space<hbm>> -> memref<128x200xi32, #tpu.memory_space<hbm>>
      %dma_start3A_102 = arith.constant 0 : i32
      %dma_start3A_103 = arith.constant 0 : i32
      %dma_start3A_104 = tpu.memref_slice %arg2[%add3A, %dma_start3A_102, %dma_start3A_103] : memref<32x128x200xi32, #tpu.memory_space<hbm>> -> memref<1x128x200xi32, #tpu.memory_space<hbm>>
      %dma_start3A_105 = tpu.memref_squeeze %dma_start3A_104 : memref<1x128x200xi32, #tpu.memory_space<hbm>> -> memref<128x200xi32, #tpu.memory_space<hbm>>
      tpu.enqueue_dma source(%dma_start3A_105 : memref<128x200xi32, #tpu.memory_space<hbm>>) target(%arg5 : memref<128x200xi32, #tpu.memory_space<vmem>>) target_semaphore(%run_scoped3A : memref<!tpu.dma_semaphore, #tpu.memory_space<semaphore_mem>>)
      %dma_wait3A = arith.constant 0 : i32
      %dma_wait3A_106 = arith.constant 0 : i32
      %dma_wait3A_107 = tpu.memref_slice %arg2[%add3A, %dma_wait3A, %dma_wait3A_106] : memref<32x128x200xi32, #tpu.memory_space<hbm>> -> memref<1x128x200xi32, #tpu.memory_space<hbm>>
      %dma_wait3A_108 = tpu.memref_squeeze %dma_wait3A_107 : memref<1x128x200xi32, #tpu.memory_space<hbm>> -> memref<128x200xi32, #tpu.memory_space<hbm>>
      %dma_wait3A_109 = arith.constant 0 : i32
      %dma_wait3A_110 = arith.constant 0 : i32
      %dma_wait3A_111 = tpu.memref_slice %arg2[%add3A, %dma_wait3A_109, %dma_wait3A_110] : memref<32x128x200xi32, #tpu.memory_space<hbm>> -> memref<1x128x200xi32, #tpu.memory_space<hbm>>
      %dma_wait3A_112 = tpu.memref_squeeze %dma_wait3A_111 : memref<1x128x200xi32, #tpu.memory_space<hbm>> -> memref<128x200xi32, #tpu.memory_space<hbm>>
      tpu.wait_dma2 semaphore(%run_scoped3A : memref<!tpu.dma_semaphore, #tpu.memory_space<semaphore_mem>>) src(%dma_wait3A_112 : memref<128x200xi32, #tpu.memory_space<hbm>>) dst(%arg5 : memref<128x200xi32, #tpu.memory_space<vmem>>)
      tpu.yield
    }) : () -> ()
    %broadcast_in_dim3A = arith.constant 0.000000e+00 : f32
    %broadcast_in_dim3A_1 = vector.broadcast %broadcast_in_dim3A : f32 to vector<16xf32>
    %scan3A = arith.constant 0 : i32
    %scan3A_2 = arith.constant 0 : i32
    %scan3A_3 = arith.constant 56 : i32
    %scan3A_4 = arith.addi %scan3A_2, %scan3A_3 : i32
    %scan3A_5 = arith.constant 1 : i32
    scf.for %scan3A_98 = %scan3A_2 to %scan3A_4 step %scan3A_5  : i32 {
      %swap3A = arith.index_cast %scan3A_98 : i32 to index
      %swap3A_99 = arith.constant 0 : index
      %swap3A_100 = tpu.vector_load %arg6[%swap3A, %swap3A_99] {strides = array<i32>} : memref<56x64xf32, #tpu.memory_space<vmem>>, vector<1x16xf32>,
      %swap3A_101 = vector.shape_cast %swap3A_100 : vector<1x16xf32> to vector<16xf32>
      %swap3A_102 = vector.shape_cast %broadcast_in_dim3A_1 : vector<16xf32> to vector<1x16xf32>
      tpu.vector_store %arg6[%swap3A, %swap3A_99], %swap3A_102 {strides = array<i32>} : memref<56x64xf32, #tpu.memory_space<vmem>>, vector<1x16xf32>,
      %swap3A_103 = arith.index_cast %scan3A_98 : i32 to index
      %swap3A_104 = arith.constant 16 : index
      %swap3A_105 = tpu.vector_load %arg6[%swap3A_103, %swap3A_104] {strides = array<i32>} : memref<56x64xf32, #tpu.memory_space<vmem>>, vector<1x16xf32>,
      %swap3A_106 = vector.shape_cast %swap3A_105 : vector<1x16xf32> to vector<16xf32>
      %swap3A_107 = vector.shape_cast %broadcast_in_dim3A_1 : vector<16xf32> to vector<1x16xf32>
      tpu.vector_store %arg6[%swap3A_103, %swap3A_104], %swap3A_107 {strides = array<i32>} : memref<56x64xf32, #tpu.memory_space<vmem>>, vector<1x16xf32>,
      %swap3A_108 = arith.index_cast %scan3A_98 : i32 to index
      %swap3A_109 = arith.constant 32 : index
      %swap3A_110 = tpu.vector_load %arg6[%swap3A_108, %swap3A_109] {strides = array<i32>} : memref<56x64xf32, #tpu.memory_space<vmem>>, vector<1x16xf32>,
      %swap3A_111 = vector.shape_cast %swap3A_110 : vector<1x16xf32> to vector<16xf32>
      %swap3A_112 = vector.shape_cast %broadcast_in_dim3A_1 : vector<16xf32> to vector<1x16xf32>
      tpu.vector_store %arg6[%swap3A_108, %swap3A_109], %swap3A_112 {strides = array<i32>} : memref<56x64xf32, #tpu.memory_space<vmem>>, vector<1x16xf32>,
      %swap3A_113 = arith.index_cast %scan3A_98 : i32 to index
      %swap3A_114 = arith.constant 48 : index
      %swap3A_115 = tpu.vector_load %arg6[%swap3A_113, %swap3A_114] {strides = array<i32>} : memref<56x64xf32, #tpu.memory_space<vmem>>, vector<1x16xf32>,
      %swap3A_116 = vector.shape_cast %swap3A_115 : vector<1x16xf32> to vector<16xf32>
      %swap3A_117 = vector.shape_cast %broadcast_in_dim3A_1 : vector<16xf32> to vector<1x16xf32>
      tpu.vector_store %arg6[%swap3A_113, %swap3A_114], %swap3A_117 {strides = array<i32>} : memref<56x64xf32, #tpu.memory_space<vmem>>, vector<1x16xf32>,
    }
    %scan3A_6 = arith.constant 56 : i32
    %scan3A_7 = arith.constant 0 : i32
    %scan3A_8 = arith.constant 0 : i32
    %scan3A_9 = arith.constant 56 : i32
    %scan3A_10 = arith.addi %scan3A_8, %scan3A_9 : i32
    %scan3A_11 = arith.constant 1 : i32
    scf.for %scan3A_98 = %scan3A_8 to %scan3A_10 step %scan3A_11  : i32 {
      %swap3A = arith.index_cast %scan3A_98 : i32 to index
      %swap3A_99 = arith.constant 0 : index
      %swap3A_100 = tpu.vector_load %arg7[%swap3A, %swap3A_99] {strides = array<i32>} : memref<56x64xf32, #tpu.memory_space<vmem>>, vector<1x16xf32>,
      %swap3A_101 = vector.shape_cast %swap3A_100 : vector<1x16xf32> to vector<16xf32>
      %swap3A_102 = vector.shape_cast %broadcast_in_dim3A_1 : vector<16xf32> to vector<1x16xf32>
      tpu.vector_store %arg7[%swap3A, %swap3A_99], %swap3A_102 {strides = array<i32>} : memref<56x64xf32, #tpu.memory_space<vmem>>, vector<1x16xf32>,
      %swap3A_103 = arith.index_cast %scan3A_98 : i32 to index
      %swap3A_104 = arith.constant 16 : index
      %swap3A_105 = tpu.vector_load %arg7[%swap3A_103, %swap3A_104] {strides = array<i32>} : memref<56x64xf32, #tpu.memory_space<vmem>>, vector<1x16xf32>,
      %swap3A_106 = vector.shape_cast %swap3A_105 : vector<1x16xf32> to vector<16xf32>
      %swap3A_107 = vector.shape_cast %broadcast_in_dim3A_1 : vector<16xf32> to vector<1x16xf32>
      tpu.vector_store %arg7[%swap3A_103, %swap3A_104], %swap3A_107 {strides = array<i32>} : memref<56x64xf32, #tpu.memory_space<vmem>>, vector<1x16xf32>,
      %swap3A_108 = arith.index_cast %scan3A_98 : i32 to index
      %swap3A_109 = arith.constant 32 : index
      %swap3A_110 = tpu.vector_load %arg7[%swap3A_108, %swap3A_109] {strides = array<i32>} : memref<56x64xf32, #tpu.memory_space<vmem>>, vector<1x16xf32>,
      %swap3A_111 = vector.shape_cast %swap3A_110 : vector<1x16xf32> to vector<16xf32>
      %swap3A_112 = vector.shape_cast %broadcast_in_dim3A_1 : vector<16xf32> to vector<1x16xf32>
      tpu.vector_store %arg7[%swap3A_108, %swap3A_109], %swap3A_112 {strides = array<i32>} : memref<56x64xf32, #tpu.memory_space<vmem>>, vector<1x16xf32>,
      %swap3A_113 = arith.index_cast %scan3A_98 : i32 to index
      %swap3A_114 = arith.constant 48 : index
      %swap3A_115 = tpu.vector_load %arg7[%swap3A_113, %swap3A_114] {strides = array<i32>} : memref<56x64xf32, #tpu.memory_space<vmem>>, vector<1x16xf32>,
      %swap3A_116 = vector.shape_cast %swap3A_115 : vector<1x16xf32> to vector<16xf32>
      %swap3A_117 = vector.shape_cast %broadcast_in_dim3A_1 : vector<16xf32> to vector<1x16xf32>
      tpu.vector_store %arg7[%swap3A_113, %swap3A_114], %swap3A_117 {strides = array<i32>} : memref<56x64xf32, #tpu.memory_space<vmem>>, vector<1x16xf32>,
    }
    %scan3A_12 = arith.constant 56 : i32
    %dma_start3A = arith.constant 0 : i32
    %dma_start3A_13 = arith.constant 0 : i32
    %dma_start3A_14 = arith.constant 0 : i32
    %dma_start3A_15 = tpu.memref_slice %arg6[%dma_start3A_13, %dma_start3A_14] : memref<56x64xf32, #tpu.memory_space<vmem>> -> memref<56x64xf32, #tpu.memory_space<vmem>>
    %dma_start3A_16 = arith.constant 0 : i32
    %dma_start3A_17 = tpu.memref_slice %arg5[%dma_start3A, %dma_start3A_16] : memref<128x200xi32, #tpu.memory_space<vmem>> -> memref<1x56xi32, #tpu.memory_space<vmem>>
    %dma_start3A_18 = tpu.memref_squeeze %dma_start3A_17 : memref<1x56xi32, #tpu.memory_space<vmem>> -> memref<56xi32, #tpu.memory_space<vmem>>
    %dma_start3A_19 = arith.constant 0 : i32
    %dma_start3A_20 = arith.constant 0 : i32
    %dma_start3A_21 = tpu.memref_slice %arg3[%dma_start3A_19, %dma_start3A_20] : memref<200000x64xf32, #tpu.memory_space<hbm>> -> memref<200000x64xf32, #tpu.memory_space<hbm>>
    tpu.enqueue_indirect_dma source(%dma_start3A_21 : memref<200000x64xf32, #tpu.memory_space<hbm>>) target(%dma_start3A_15 : memref<56x64xf32, #tpu.memory_space<vmem>>) offsets(%dma_start3A_18 : memref<56xi32, #tpu.memory_space<vmem>>) semaphore(%arg9 : memref<!tpu.dma_semaphore, #tpu.memory_space<semaphore_mem>>) {add = true}
    %dma_start3A_22 = arith.constant 0 : i32
    %dma_start3A_23 = arith.constant 0 : i32
    %dma_start3A_24 = arith.constant 0 : i32
    %dma_start3A_25 = tpu.memref_slice %arg6[%dma_start3A_23, %dma_start3A_24] : memref<56x64xf32, #tpu.memory_space<vmem>> -> memref<56x64xf32, #tpu.memory_space<vmem>>
    %dma_start3A_26 = arith.constant 56 : i32
    %dma_start3A_27 = tpu.memref_slice %arg5[%dma_start3A_22, %dma_start3A_26] : memref<128x200xi32, #tpu.memory_space<vmem>> -> memref<1x56xi32, #tpu.memory_space<vmem>>
    %dma_start3A_28 = tpu.memref_squeeze %dma_start3A_27 : memref<1x56xi32, #tpu.memory_space<vmem>> -> memref<56xi32, #tpu.memory_space<vmem>>
    %dma_start3A_29 = arith.constant 0 : i32
    %dma_start3A_30 = arith.constant 0 : i32
    %dma_start3A_31 = tpu.memref_slice %arg3[%dma_start3A_29, %dma_start3A_30] : memref<200000x64xf32, #tpu.memory_space<hbm>> -> memref<200000x64xf32, #tpu.memory_space<hbm>>
    tpu.enqueue_indirect_dma source(%dma_start3A_31 : memref<200000x64xf32, #tpu.memory_space<hbm>>) target(%dma_start3A_25 : memref<56x64xf32, #tpu.memory_space<vmem>>) offsets(%dma_start3A_28 : memref<56xi32, #tpu.memory_space<vmem>>) semaphore(%arg9 : memref<!tpu.dma_semaphore, #tpu.memory_space<semaphore_mem>>) {add = true}
    %dma_start3A_32 = arith.constant 0 : i32
    %dma_start3A_33 = arith.constant 0 : i32
    %dma_start3A_34 = arith.constant 0 : i32
    %dma_start3A_35 = tpu.memref_slice %arg6[%dma_start3A_33, %dma_start3A_34] : memref<56x64xf32, #tpu.memory_space<vmem>> -> memref<56x64xf32, #tpu.memory_space<vmem>>
    %dma_start3A_36 = arith.constant 112 : i32
    %dma_start3A_37 = tpu.memref_slice %arg5[%dma_start3A_32, %dma_start3A_36] : memref<128x200xi32, #tpu.memory_space<vmem>> -> memref<1x56xi32, #tpu.memory_space<vmem>>
    %dma_start3A_38 = tpu.memref_squeeze %dma_start3A_37 : memref<1x56xi32, #tpu.memory_space<vmem>> -> memref<56xi32, #tpu.memory_space<vmem>>
    %dma_start3A_39 = arith.constant 0 : i32
    %dma_start3A_40 = arith.constant 0 : i32
    %dma_start3A_41 = tpu.memref_slice %arg3[%dma_start3A_39, %dma_start3A_40] : memref<200000x64xf32, #tpu.memory_space<hbm>> -> memref<200000x64xf32, #tpu.memory_space<hbm>>
    tpu.enqueue_indirect_dma source(%dma_start3A_41 : memref<200000x64xf32, #tpu.memory_space<hbm>>) target(%dma_start3A_35 : memref<56x64xf32, #tpu.memory_space<vmem>>) offsets(%dma_start3A_38 : memref<56xi32, #tpu.memory_space<vmem>>) semaphore(%arg9 : memref<!tpu.dma_semaphore, #tpu.memory_space<semaphore_mem>>) {add = true}
    %dma_start3A_42 = arith.constant 0 : i32
    %dma_start3A_43 = arith.constant 0 : i32
    %dma_start3A_44 = arith.constant 0 : i32
    %dma_start3A_45 = tpu.memref_slice %arg6[%dma_start3A_43, %dma_start3A_44] : memref<56x64xf32, #tpu.memory_space<vmem>> -> memref<32x64xf32, #tpu.memory_space<vmem>>
    %dma_start3A_46 = arith.constant 168 : i32
    %dma_start3A_47 = tpu.memref_slice %arg5[%dma_start3A_42, %dma_start3A_46] : memref<128x200xi32, #tpu.memory_space<vmem>> -> memref<1x32xi32, #tpu.memory_space<vmem>>
    %dma_start3A_48 = tpu.memref_squeeze %dma_start3A_47 : memref<1x32xi32, #tpu.memory_space<vmem>> -> memref<32xi32, #tpu.memory_space<vmem>>
    %dma_start3A_49 = arith.constant 0 : i32
    %dma_start3A_50 = arith.constant 0 : i32
    %dma_start3A_51 = tpu.memref_slice %arg3[%dma_start3A_49, %dma_start3A_50] : memref<200000x64xf32, #tpu.memory_space<hbm>> -> memref<200000x64xf32, #tpu.memory_space<hbm>>
    tpu.enqueue_indirect_dma source(%dma_start3A_51 : memref<200000x64xf32, #tpu.memory_space<hbm>>) target(%dma_start3A_45 : memref<32x64xf32, #tpu.memory_space<vmem>>) offsets(%dma_start3A_48 : memref<32xi32, #tpu.memory_space<vmem>>) semaphore(%arg9 : memref<!tpu.dma_semaphore, #tpu.memory_space<semaphore_mem>>) {add = true}
    %dma_start3A_52 = arith.constant 1 : i32
    %dma_start3A_53 = arith.constant 0 : i32
    %dma_start3A_54 = arith.constant 0 : i32
    %dma_start3A_55 = tpu.memref_slice %arg7[%dma_start3A_53, %dma_start3A_54] : memref<56x64xf32, #tpu.memory_space<vmem>> -> memref<56x64xf32, #tpu.memory_space<vmem>>
    %dma_start3A_56 = arith.constant 0 : i32
    %dma_start3A_57 = tpu.memref_slice %arg5[%dma_start3A_52, %dma_start3A_56] : memref<128x200xi32, #tpu.memory_space<vmem>> -> memref<1x56xi32, #tpu.memory_space<vmem>>
    %dma_start3A_58 = tpu.memref_squeeze %dma_start3A_57 : memref<1x56xi32, #tpu.memory_space<vmem>> -> memref<56xi32, #tpu.memory_space<vmem>>
    %dma_start3A_59 = arith.constant 0 : i32
    %dma_start3A_60 = arith.constant 0 : i32
    %dma_start3A_61 = tpu.memref_slice %arg3[%dma_start3A_59, %dma_start3A_60] : memref<200000x64xf32, #tpu.memory_space<hbm>> -> memref<200000x64xf32, #tpu.memory_space<hbm>>
    tpu.enqueue_indirect_dma source(%dma_start3A_61 : memref<200000x64xf32, #tpu.memory_space<hbm>>) target(%dma_start3A_55 : memref<56x64xf32, #tpu.memory_space<vmem>>) offsets(%dma_start3A_58 : memref<56xi32, #tpu.memory_space<vmem>>) semaphore(%arg10 : memref<!tpu.dma_semaphore, #tpu.memory_space<semaphore_mem>>) {add = true}
    %dma_start3A_62 = arith.constant 1 : i32
    %dma_start3A_63 = arith.constant 0 : i32
    %dma_start3A_64 = arith.constant 0 : i32
    %dma_start3A_65 = tpu.memref_slice %arg7[%dma_start3A_63, %dma_start3A_64] : memref<56x64xf32, #tpu.memory_space<vmem>> -> memref<56x64xf32, #tpu.memory_space<vmem>>
    %dma_start3A_66 = arith.constant 56 : i32
    %dma_start3A_67 = tpu.memref_slice %arg5[%dma_start3A_62, %dma_start3A_66] : memref<128x200xi32, #tpu.memory_space<vmem>> -> memref<1x56xi32, #tpu.memory_space<vmem>>
    %dma_start3A_68 = tpu.memref_squeeze %dma_start3A_67 : memref<1x56xi32, #tpu.memory_space<vmem>> -> memref<56xi32, #tpu.memory_space<vmem>>
    %dma_start3A_69 = arith.constant 0 : i32
    %dma_start3A_70 = arith.constant 0 : i32
    %dma_start3A_71 = tpu.memref_slice %arg3[%dma_start3A_69, %dma_start3A_70] : memref<200000x64xf32, #tpu.memory_space<hbm>> -> memref<200000x64xf32, #tpu.memory_space<hbm>>
    tpu.enqueue_indirect_dma source(%dma_start3A_71 : memref<200000x64xf32, #tpu.memory_space<hbm>>) target(%dma_start3A_65 : memref<56x64xf32, #tpu.memory_space<vmem>>) offsets(%dma_start3A_68 : memref<56xi32, #tpu.memory_space<vmem>>) semaphore(%arg10 : memref<!tpu.dma_semaphore, #tpu.memory_space<semaphore_mem>>) {add = true}
    %dma_start3A_72 = arith.constant 1 : i32
    %dma_start3A_73 = arith.constant 0 : i32
    %dma_start3A_74 = arith.constant 0 : i32
    %dma_start3A_75 = tpu.memref_slice %arg7[%dma_start3A_73, %dma_start3A_74] : memref<56x64xf32, #tpu.memory_space<vmem>> -> memref<56x64xf32, #tpu.memory_space<vmem>>
    %dma_start3A_76 = arith.constant 112 : i32
    %dma_start3A_77 = tpu.memref_slice %arg5[%dma_start3A_72, %dma_start3A_76] : memref<128x200xi32, #tpu.memory_space<vmem>> -> memref<1x56xi32, #tpu.memory_space<vmem>>
    %dma_start3A_78 = tpu.memref_squeeze %dma_start3A_77 : memref<1x56xi32, #tpu.memory_space<vmem>> -> memref<56xi32, #tpu.memory_space<vmem>>
    %dma_start3A_79 = arith.constant 0 : i32
    %dma_start3A_80 = arith.constant 0 : i32
    %dma_start3A_81 = tpu.memref_slice %arg3[%dma_start3A_79, %dma_start3A_80] : memref<200000x64xf32, #tpu.memory_space<hbm>> -> memref<200000x64xf32, #tpu.memory_space<hbm>>
    tpu.enqueue_indirect_dma source(%dma_start3A_81 : memref<200000x64xf32, #tpu.memory_space<hbm>>) target(%dma_start3A_75 : memref<56x64xf32, #tpu.memory_space<vmem>>) offsets(%dma_start3A_78 : memref<56xi32, #tpu.memory_space<vmem>>) semaphore(%arg10 : memref<!tpu.dma_semaphore, #tpu.memory_space<semaphore_mem>>) {add = true}
    %dma_start3A_82 = arith.constant 1 : i32
    %dma_start3A_83 = arith.constant 0 : i32
    %dma_start3A_84 = arith.constant 0 : i32
    %dma_start3A_85 = tpu.memref_slice %arg7[%dma_start3A_83, %dma_start3A_84] : memref<56x64xf32, #tpu.memory_space<vmem>> -> memref<32x64xf32, #tpu.memory_space<vmem>>
    %dma_start3A_86 = arith.constant 168 : i32
    %dma_start3A_87 = tpu.memref_slice %arg5[%dma_start3A_82, %dma_start3A_86] : memref<128x200xi32, #tpu.memory_space<vmem>> -> memref<1x32xi32, #tpu.memory_space<vmem>>
    %dma_start3A_88 = tpu.memref_squeeze %dma_start3A_87 : memref<1x32xi32, #tpu.memory_space<vmem>> -> memref<32xi32, #tpu.memory_space<vmem>>
    %dma_start3A_89 = arith.constant 0 : i32
    %dma_start3A_90 = arith.constant 0 : i32
    %dma_start3A_91 = tpu.memref_slice %arg3[%dma_start3A_89, %dma_start3A_90] : memref<200000x64xf32, #tpu.memory_space<hbm>> -> memref<200000x64xf32, #tpu.memory_space<hbm>>
    tpu.enqueue_indirect_dma source(%dma_start3A_91 : memref<200000x64xf32, #tpu.memory_space<hbm>>) target(%dma_start3A_85 : memref<32x64xf32, #tpu.memory_space<vmem>>) offsets(%dma_start3A_88 : memref<32xi32, #tpu.memory_space<vmem>>) semaphore(%arg10 : memref<!tpu.dma_semaphore, #tpu.memory_space<semaphore_mem>>) {add = true}
    %scan3A_92 = arith.constant 0 : i32
    %scan3A_93 = arith.constant 0 : i32
    %scan3A_94 = arith.constant 64 : i32
    %scan3A_95 = arith.addi %scan3A_93, %scan3A_94 : i32
    %scan3A_96 = arith.constant 1 : i32
    scf.for %scan3A_98 = %scan3A_93 to %scan3A_95 step %scan3A_96  : i32 {
      %mul3A_99 = arith.constant 2 : i32
      %mul3A_100 = arith.muli %mul3A_99, %scan3A_98 : i32
      %dma_wait3A = arith.constant 0 : i32
      %dma_wait3A_101 = arith.constant 0 : i32
      %dma_wait3A_102 = tpu.memref_slice %arg6[%dma_wait3A, %dma_wait3A_101] : memref<56x64xf32, #tpu.memory_space<vmem>> -> memref<56x64xf32, #tpu.memory_space<vmem>>
      %dma_wait3A_103 = arith.constant 0 : i32
      %dma_wait3A_104 = tpu.memref_slice %arg5[%mul3A_100, %dma_wait3A_103] : memref<128x200xi32, #tpu.memory_space<vmem>> -> memref<1x56xi32, #tpu.memory_space<vmem>>
      %dma_wait3A_105 = tpu.memref_squeeze %dma_wait3A_104 : memref<1x56xi32, #tpu.memory_space<vmem>> -> memref<56xi32, #tpu.memory_space<vmem>>
      %dma_wait3A_106 = arith.constant 0 : i32
      %dma_wait3A_107 = arith.constant 0 : i32
      %dma_wait3A_108 = tpu.memref_slice %arg3[%dma_wait3A_106, %dma_wait3A_107] : memref<200000x64xf32, #tpu.memory_space<hbm>> -> memref<200000x64xf32, #tpu.memory_space<hbm>>
      tpu.wait_indirect_dma semaphore(%arg9 : memref<!tpu.dma_semaphore, #tpu.memory_space<semaphore_mem>>) src(%dma_wait3A_108 : memref<200000x64xf32, #tpu.memory_space<hbm>>) dst(%dma_wait3A_102 : memref<56x64xf32, #tpu.memory_space<vmem>>)
      %dma_wait3A_109 = arith.constant 0 : i32
      %dma_wait3A_110 = arith.constant 0 : i32
      %dma_wait3A_111 = tpu.memref_slice %arg6[%dma_wait3A_109, %dma_wait3A_110] : memref<56x64xf32, #tpu.memory_space<vmem>> -> memref<56x64xf32, #tpu.memory_space<vmem>>
      %dma_wait3A_112 = arith.constant 56 : i32
      %dma_wait3A_113 = tpu.memref_slice %arg5[%mul3A_100, %dma_wait3A_112] : memref<128x200xi32, #tpu.memory_space<vmem>> -> memref<1x56xi32, #tpu.memory_space<vmem>>
      %dma_wait3A_114 = tpu.memref_squeeze %dma_wait3A_113 : memref<1x56xi32, #tpu.memory_space<vmem>> -> memref<56xi32, #tpu.memory_space<vmem>>
      %dma_wait3A_115 = arith.constant 0 : i32
      %dma_wait3A_116 = arith.constant 0 : i32
      %dma_wait3A_117 = tpu.memref_slice %arg3[%dma_wait3A_115, %dma_wait3A_116] : memref<200000x64xf32, #tpu.memory_space<hbm>> -> memref<200000x64xf32, #tpu.memory_space<hbm>>
      tpu.wait_indirect_dma semaphore(%arg9 : memref<!tpu.dma_semaphore, #tpu.memory_space<semaphore_mem>>) src(%dma_wait3A_117 : memref<200000x64xf32, #tpu.memory_space<hbm>>) dst(%dma_wait3A_111 : memref<56x64xf32, #tpu.memory_space<vmem>>)
      %dma_wait3A_118 = arith.constant 0 : i32
      %dma_wait3A_119 = arith.constant 0 : i32
      %dma_wait3A_120 = tpu.memref_slice %arg6[%dma_wait3A_118, %dma_wait3A_119] : memref<56x64xf32, #tpu.memory_space<vmem>> -> memref<56x64xf32, #tpu.memory_space<vmem>>
      %dma_wait3A_121 = arith.constant 112 : i32
      %dma_wait3A_122 = tpu.memref_slice %arg5[%mul3A_100, %dma_wait3A_121] : memref<128x200xi32, #tpu.memory_space<vmem>> -> memref<1x56xi32, #tpu.memory_space<vmem>>
      %dma_wait3A_123 = tpu.memref_squeeze %dma_wait3A_122 : memref<1x56xi32, #tpu.memory_space<vmem>> -> memref<56xi32, #tpu.memory_space<vmem>>
      %dma_wait3A_124 = arith.constant 0 : i32
      %dma_wait3A_125 = arith.constant 0 : i32
      %dma_wait3A_126 = tpu.memref_slice %arg3[%dma_wait3A_124, %dma_wait3A_125] : memref<200000x64xf32, #tpu.memory_space<hbm>> -> memref<200000x64xf32, #tpu.memory_space<hbm>>
      tpu.wait_indirect_dma semaphore(%arg9 : memref<!tpu.dma_semaphore, #tpu.memory_space<semaphore_mem>>) src(%dma_wait3A_126 : memref<200000x64xf32, #tpu.memory_space<hbm>>) dst(%dma_wait3A_120 : memref<56x64xf32, #tpu.memory_space<vmem>>)
      %dma_wait3A_127 = arith.constant 0 : i32
      %dma_wait3A_128 = arith.constant 0 : i32
      %dma_wait3A_129 = tpu.memref_slice %arg6[%dma_wait3A_127, %dma_wait3A_128] : memref<56x64xf32, #tpu.memory_space<vmem>> -> memref<32x64xf32, #tpu.memory_space<vmem>>
      %dma_wait3A_130 = arith.constant 168 : i32
      %dma_wait3A_131 = tpu.memref_slice %arg5[%mul3A_100, %dma_wait3A_130] : memref<128x200xi32, #tpu.memory_space<vmem>> -> memref<1x32xi32, #tpu.memory_space<vmem>>
      %dma_wait3A_132 = tpu.memref_squeeze %dma_wait3A_131 : memref<1x32xi32, #tpu.memory_space<vmem>> -> memref<32xi32, #tpu.memory_space<vmem>>
      %dma_wait3A_133 = arith.constant 0 : i32
      %dma_wait3A_134 = arith.constant 0 : i32
      %dma_wait3A_135 = tpu.memref_slice %arg3[%dma_wait3A_133, %dma_wait3A_134] : memref<200000x64xf32, #tpu.memory_space<hbm>> -> memref<200000x64xf32, #tpu.memory_space<hbm>>
      tpu.wait_indirect_dma semaphore(%arg9 : memref<!tpu.dma_semaphore, #tpu.memory_space<semaphore_mem>>) src(%dma_wait3A_135 : memref<200000x64xf32, #tpu.memory_space<hbm>>) dst(%dma_wait3A_129 : memref<32x64xf32, #tpu.memory_space<vmem>>)
      %scan3A_136 = arith.constant 0 : i32
      %scan3A_137 = arith.constant 56 : i32
      %scan3A_138 = arith.addi %scan3A_136, %scan3A_137 : i32
      %scan3A_139 = arith.constant 1 : i32
      %scan3A_140:4 = scf.for %scan3A_234 = %scan3A_136 to %scan3A_138 step %scan3A_139 iter_args(%scan3A_235 = %broadcast_in_dim3A_1, %scan3A_236 = %broadcast_in_dim3A_1, %scan3A_237 = %broadcast_in_dim3A_1, %scan3A_238 = %broadcast_in_dim3A_1) -> (vector<16xf32>, vector<16xf32>, vector<16xf32>, vector<16xf32>)  : i32 {
        %get3A = arith.index_cast %scan3A_234 : i32 to index
        %get3A_239 = arith.constant 0 : index
        %get3A_240 = tpu.vector_load %arg6[%get3A, %get3A_239] {strides = array<i32>} : memref<56x64xf32, #tpu.memory_space<vmem>>, vector<1x16xf32>,
        %get3A_241 = vector.shape_cast %get3A_240 : vector<1x16xf32> to vector<16xf32>
        %add3A_242 = arith.addf %scan3A_235, %get3A_241 : vector<16xf32>
        %get3A_243 = arith.index_cast %scan3A_234 : i32 to index
        %get3A_244 = arith.constant 16 : index
        %get3A_245 = tpu.vector_load %arg6[%get3A_243, %get3A_244] {strides = array<i32>} : memref<56x64xf32, #tpu.memory_space<vmem>>, vector<1x16xf32>,
        %get3A_246 = vector.shape_cast %get3A_245 : vector<1x16xf32> to vector<16xf32>
        %add3A_247 = arith.addf %scan3A_236, %get3A_246 : vector<16xf32>
        %get3A_248 = arith.index_cast %scan3A_234 : i32 to index
        %get3A_249 = arith.constant 32 : index
        %get3A_250 = tpu.vector_load %arg6[%get3A_248, %get3A_249] {strides = array<i32>} : memref<56x64xf32, #tpu.memory_space<vmem>>, vector<1x16xf32>,
        %get3A_251 = vector.shape_cast %get3A_250 : vector<1x16xf32> to vector<16xf32>
        %add3A_252 = arith.addf %scan3A_237, %get3A_251 : vector<16xf32>
        %get3A_253 = arith.index_cast %scan3A_234 : i32 to index
        %get3A_254 = arith.constant 48 : index
        %get3A_255 = tpu.vector_load %arg6[%get3A_253, %get3A_254] {strides = array<i32>} : memref<56x64xf32, #tpu.memory_space<vmem>>, vector<1x16xf32>,
        %get3A_256 = vector.shape_cast %get3A_255 : vector<1x16xf32> to vector<16xf32>
        %add3A_257 = arith.addf %scan3A_238, %get3A_256 : vector<16xf32>
        %swap3A_258 = arith.index_cast %scan3A_234 : i32 to index
        %swap3A_259 = arith.constant 0 : index
        %swap3A_260 = tpu.vector_load %arg6[%swap3A_258, %swap3A_259] {strides = array<i32>} : memref<56x64xf32, #tpu.memory_space<vmem>>, vector<1x16xf32>,
        %swap3A_261 = vector.shape_cast %swap3A_260 : vector<1x16xf32> to vector<16xf32>
        %swap3A_262 = vector.shape_cast %broadcast_in_dim3A_1 : vector<16xf32> to vector<1x16xf32>
        tpu.vector_store %arg6[%swap3A_258, %swap3A_259], %swap3A_262 {strides = array<i32>} : memref<56x64xf32, #tpu.memory_space<vmem>>, vector<1x16xf32>,
        %swap3A_263 = arith.index_cast %scan3A_234 : i32 to index
        %swap3A_264 = arith.constant 16 : index
        %swap3A_265 = tpu.vector_load %arg6[%swap3A_263, %swap3A_264] {strides = array<i32>} : memref<56x64xf32, #tpu.memory_space<vmem>>, vector<1x16xf32>,
        %swap3A_266 = vector.shape_cast %swap3A_265 : vector<1x16xf32> to vector<16xf32>
        %swap3A_267 = vector.shape_cast %broadcast_in_dim3A_1 : vector<16xf32> to vector<1x16xf32>
        tpu.vector_store %arg6[%swap3A_263, %swap3A_264], %swap3A_267 {strides = array<i32>} : memref<56x64xf32, #tpu.memory_space<vmem>>, vector<1x16xf32>,
        %swap3A_268 = arith.index_cast %scan3A_234 : i32 to index
        %swap3A_269 = arith.constant 32 : index
        %swap3A_270 = tpu.vector_load %arg6[%swap3A_268, %swap3A_269] {strides = array<i32>} : memref<56x64xf32, #tpu.memory_space<vmem>>, vector<1x16xf32>,
        %swap3A_271 = vector.shape_cast %swap3A_270 : vector<1x16xf32> to vector<16xf32>
        %swap3A_272 = vector.shape_cast %broadcast_in_dim3A_1 : vector<16xf32> to vector<1x16xf32>
        tpu.vector_store %arg6[%swap3A_268, %swap3A_269], %swap3A_272 {strides = array<i32>} : memref<56x64xf32, #tpu.memory_space<vmem>>, vector<1x16xf32>,
        %swap3A_273 = arith.index_cast %scan3A_234 : i32 to index
        %swap3A_274 = arith.constant 48 : index
        %swap3A_275 = tpu.vector_load %arg6[%swap3A_273, %swap3A_274] {strides = array<i32>} : memref<56x64xf32, #tpu.memory_space<vmem>>, vector<1x16xf32>,
        %swap3A_276 = vector.shape_cast %swap3A_275 : vector<1x16xf32> to vector<16xf32>
        %swap3A_277 = vector.shape_cast %broadcast_in_dim3A_1 : vector<16xf32> to vector<1x16xf32>
        tpu.vector_store %arg6[%swap3A_273, %swap3A_274], %swap3A_277 {strides = array<i32>} : memref<56x64xf32, #tpu.memory_space<vmem>>, vector<1x16xf32>,
        scf.yield %add3A_242, %add3A_247, %add3A_252, %add3A_257 : vector<16xf32>, vector<16xf32>, vector<16xf32>, vector<16xf32>
      }
      %scan3A_141 = arith.constant 56 : i32
      %swap3A = arith.index_cast %mul3A_100 : i32 to index
      %swap3A_142 = arith.constant 0 : index
      %swap3A_143 = tpu.vector_load %arg8[%swap3A, %swap3A_142] {strides = array<i32>} : memref<128x64xf32, #tpu.memory_space<vmem>>, vector<1x16xf32>,
      %swap3A_144 = vector.shape_cast %swap3A_143 : vector<1x16xf32> to vector<16xf32>
      %swap3A_145 = vector.shape_cast %scan3A_140#0 : vector<16xf32> to vector<1x16xf32>
      tpu.vector_store %arg8[%swap3A, %swap3A_142], %swap3A_145 {strides = array<i32>} : memref<128x64xf32, #tpu.memory_space<vmem>>, vector<1x16xf32>,
      %swap3A_146 = arith.index_cast %mul3A_100 : i32 to index
      %swap3A_147 = arith.constant 16 : index
      %swap3A_148 = tpu.vector_load %arg8[%swap3A_146, %swap3A_147] {strides = array<i32>} : memref<128x64xf32, #tpu.memory_space<vmem>>, vector<1x16xf32>,
      %swap3A_149 = vector.shape_cast %swap3A_148 : vector<1x16xf32> to vector<16xf32>
      %swap3A_150 = vector.shape_cast %scan3A_140#1 : vector<16xf32> to vector<1x16xf32>
      tpu.vector_store %arg8[%swap3A_146, %swap3A_147], %swap3A_150 {strides = array<i32>} : memref<128x64xf32, #tpu.memory_space<vmem>>, vector<1x16xf32>,
      %swap3A_151 = arith.index_cast %mul3A_100 : i32 to index
      %swap3A_152 = arith.constant 32 : index
      %swap3A_153 = tpu.vector_load %arg8[%swap3A_151, %swap3A_152] {strides = array<i32>} : memref<128x64xf32, #tpu.memory_space<vmem>>, vector<1x16xf32>,
      %swap3A_154 = vector.shape_cast %swap3A_153 : vector<1x16xf32> to vector<16xf32>
      %swap3A_155 = vector.shape_cast %scan3A_140#2 : vector<16xf32> to vector<1x16xf32>
      tpu.vector_store %arg8[%swap3A_151, %swap3A_152], %swap3A_155 {strides = array<i32>} : memref<128x64xf32, #tpu.memory_space<vmem>>, vector<1x16xf32>,
      %swap3A_156 = arith.index_cast %mul3A_100 : i32 to index
      %swap3A_157 = arith.constant 48 : index
      %swap3A_158 = tpu.vector_load %arg8[%swap3A_156, %swap3A_157] {strides = array<i32>} : memref<128x64xf32, #tpu.memory_space<vmem>>, vector<1x16xf32>,
      %swap3A_159 = vector.shape_cast %swap3A_158 : vector<1x16xf32> to vector<16xf32>
      %swap3A_160 = vector.shape_cast %scan3A_140#3 : vector<16xf32> to vector<1x16xf32>
      tpu.vector_store %arg8[%swap3A_156, %swap3A_157], %swap3A_160 {strides = array<i32>} : memref<128x64xf32, #tpu.memory_space<vmem>>, vector<1x16xf32>,
      %lt3A = arith.constant 63 : i32
      %lt3A_161 = arith.cmpi slt, %scan3A_98, %lt3A : i32
      %convert_element_type3A = arith.extui %lt3A_161 : i1 to i32
      %cond3A = arith.constant 0 : i32
      %cond3A_162 = arith.cmpi ne, %convert_element_type3A, %cond3A : i32
      scf.if %cond3A_162 {
        %add3A_234 = arith.constant 2 : i32
        %add3A_235 = arith.addi %mul3A_100, %add3A_234 : i32
        %dma_start3A_236 = arith.constant 0 : i32
        %dma_start3A_237 = arith.constant 0 : i32
        %dma_start3A_238 = tpu.memref_slice %arg6[%dma_start3A_236, %dma_start3A_237] : memref<56x64xf32, #tpu.memory_space<vmem>> -> memref<56x64xf32, #tpu.memory_space<vmem>>
        %dma_start3A_239 = arith.constant 0 : i32
        %dma_start3A_240 = tpu.memref_slice %arg5[%add3A_235, %dma_start3A_239] : memref<128x200xi32, #tpu.memory_space<vmem>> -> memref<1x56xi32, #tpu.memory_space<vmem>>
        %dma_start3A_241 = tpu.memref_squeeze %dma_start3A_240 : memref<1x56xi32, #tpu.memory_space<vmem>> -> memref<56xi32, #tpu.memory_space<vmem>>
        %dma_start3A_242 = arith.constant 0 : i32
        %dma_start3A_243 = arith.constant 0 : i32
        %dma_start3A_244 = tpu.memref_slice %arg3[%dma_start3A_242, %dma_start3A_243] : memref<200000x64xf32, #tpu.memory_space<hbm>> -> memref<200000x64xf32, #tpu.memory_space<hbm>>
        tpu.enqueue_indirect_dma source(%dma_start3A_244 : memref<200000x64xf32, #tpu.memory_space<hbm>>) target(%dma_start3A_238 : memref<56x64xf32, #tpu.memory_space<vmem>>) offsets(%dma_start3A_241 : memref<56xi32, #tpu.memory_space<vmem>>) semaphore(%arg9 : memref<!tpu.dma_semaphore, #tpu.memory_space<semaphore_mem>>) {add = true}
        %dma_start3A_245 = arith.constant 0 : i32
        %dma_start3A_246 = arith.constant 0 : i32
        %dma_start3A_247 = tpu.memref_slice %arg6[%dma_start3A_245, %dma_start3A_246] : memref<56x64xf32, #tpu.memory_space<vmem>> -> memref<56x64xf32, #tpu.memory_space<vmem>>
        %dma_start3A_248 = arith.constant 56 : i32
        %dma_start3A_249 = tpu.memref_slice %arg5[%add3A_235, %dma_start3A_248] : memref<128x200xi32, #tpu.memory_space<vmem>> -> memref<1x56xi32, #tpu.memory_space<vmem>>
        %dma_start3A_250 = tpu.memref_squeeze %dma_start3A_249 : memref<1x56xi32, #tpu.memory_space<vmem>> -> memref<56xi32, #tpu.memory_space<vmem>>
        %dma_start3A_251 = arith.constant 0 : i32
        %dma_start3A_252 = arith.constant 0 : i32
        %dma_start3A_253 = tpu.memref_slice %arg3[%dma_start3A_251, %dma_start3A_252] : memref<200000x64xf32, #tpu.memory_space<hbm>> -> memref<200000x64xf32, #tpu.memory_space<hbm>>
        tpu.enqueue_indirect_dma source(%dma_start3A_253 : memref<200000x64xf32, #tpu.memory_space<hbm>>) target(%dma_start3A_247 : memref<56x64xf32, #tpu.memory_space<vmem>>) offsets(%dma_start3A_250 : memref<56xi32, #tpu.memory_space<vmem>>) semaphore(%arg9 : memref<!tpu.dma_semaphore, #tpu.memory_space<semaphore_mem>>) {add = true}
        %dma_start3A_254 = arith.constant 0 : i32
        %dma_start3A_255 = arith.constant 0 : i32
        %dma_start3A_256 = tpu.memref_slice %arg6[%dma_start3A_254, %dma_start3A_255] : memref<56x64xf32, #tpu.memory_space<vmem>> -> memref<56x64xf32, #tpu.memory_space<vmem>>
        %dma_start3A_257 = arith.constant 112 : i32
        %dma_start3A_258 = tpu.memref_slice %arg5[%add3A_235, %dma_start3A_257] : memref<128x200xi32, #tpu.memory_space<vmem>> -> memref<1x56xi32, #tpu.memory_space<vmem>>
        %dma_start3A_259 = tpu.memref_squeeze %dma_start3A_258 : memref<1x56xi32, #tpu.memory_space<vmem>> -> memref<56xi32, #tpu.memory_space<vmem>>
        %dma_start3A_260 = arith.constant 0 : i32
        %dma_start3A_261 = arith.constant 0 : i32
        %dma_start3A_262 = tpu.memref_slice %arg3[%dma_start3A_260, %dma_start3A_261] : memref<200000x64xf32, #tpu.memory_space<hbm>> -> memref<200000x64xf32, #tpu.memory_space<hbm>>
        tpu.enqueue_indirect_dma source(%dma_start3A_262 : memref<200000x64xf32, #tpu.memory_space<hbm>>) target(%dma_start3A_256 : memref<56x64xf32, #tpu.memory_space<vmem>>) offsets(%dma_start3A_259 : memref<56xi32, #tpu.memory_space<vmem>>) semaphore(%arg9 : memref<!tpu.dma_semaphore, #tpu.memory_space<semaphore_mem>>) {add = true}
        %dma_start3A_263 = arith.constant 0 : i32
        %dma_start3A_264 = arith.constant 0 : i32
        %dma_start3A_265 = tpu.memref_slice %arg6[%dma_start3A_263, %dma_start3A_264] : memref<56x64xf32, #tpu.memory_space<vmem>> -> memref<32x64xf32, #tpu.memory_space<vmem>>
        %dma_start3A_266 = arith.constant 168 : i32
        %dma_start3A_267 = tpu.memref_slice %arg5[%add3A_235, %dma_start3A_266] : memref<128x200xi32, #tpu.memory_space<vmem>> -> memref<1x32xi32, #tpu.memory_space<vmem>>
        %dma_start3A_268 = tpu.memref_squeeze %dma_start3A_267 : memref<1x32xi32, #tpu.memory_space<vmem>> -> memref<32xi32, #tpu.memory_space<vmem>>
        %dma_start3A_269 = arith.constant 0 : i32
        %dma_start3A_270 = arith.constant 0 : i32
        %dma_start3A_271 = tpu.memref_slice %arg3[%dma_start3A_269, %dma_start3A_270] : memref<200000x64xf32, #tpu.memory_space<hbm>> -> memref<200000x64xf32, #tpu.memory_space<hbm>>
        tpu.enqueue_indirect_dma source(%dma_start3A_271 : memref<200000x64xf32, #tpu.memory_space<hbm>>) target(%dma_start3A_265 : memref<32x64xf32, #tpu.memory_space<vmem>>) offsets(%dma_start3A_268 : memref<32xi32, #tpu.memory_space<vmem>>) semaphore(%arg9 : memref<!tpu.dma_semaphore, #tpu.memory_space<semaphore_mem>>) {add = true}
      } else {
      }
      %add3A_163 = arith.constant 1 : i32
      %add3A_164 = arith.addi %mul3A_100, %add3A_163 : i32
      %dma_wait3A_165 = arith.constant 0 : i32
      %dma_wait3A_166 = arith.constant 0 : i32
      %dma_wait3A_167 = tpu.memref_slice %arg7[%dma_wait3A_165, %dma_wait3A_166] : memref<56x64xf32, #tpu.memory_space<vmem>> -> memref<56x64xf32, #tpu.memory_space<vmem>>
      %dma_wait3A_168 = arith.constant 0 : i32
      %dma_wait3A_169 = tpu.memref_slice %arg5[%add3A_164, %dma_wait3A_168] : memref<128x200xi32, #tpu.memory_space<vmem>> -> memref<1x56xi32, #tpu.memory_space<vmem>>
      %dma_wait3A_170 = tpu.memref_squeeze %dma_wait3A_169 : memref<1x56xi32, #tpu.memory_space<vmem>> -> memref<56xi32, #tpu.memory_space<vmem>>
      %dma_wait3A_171 = arith.constant 0 : i32
      %dma_wait3A_172 = arith.constant 0 : i32
      %dma_wait3A_173 = tpu.memref_slice %arg3[%dma_wait3A_171, %dma_wait3A_172] : memref<200000x64xf32, #tpu.memory_space<hbm>> -> memref<200000x64xf32, #tpu.memory_space<hbm>>
      tpu.wait_indirect_dma semaphore(%arg10 : memref<!tpu.dma_semaphore, #tpu.memory_space<semaphore_mem>>) src(%dma_wait3A_173 : memref<200000x64xf32, #tpu.memory_space<hbm>>) dst(%dma_wait3A_167 : memref<56x64xf32, #tpu.memory_space<vmem>>)
      %dma_wait3A_174 = arith.constant 0 : i32
      %dma_wait3A_175 = arith.constant 0 : i32
      %dma_wait3A_176 = tpu.memref_slice %arg7[%dma_wait3A_174, %dma_wait3A_175] : memref<56x64xf32, #tpu.memory_space<vmem>> -> memref<56x64xf32, #tpu.memory_space<vmem>>
      %dma_wait3A_177 = arith.constant 56 : i32
      %dma_wait3A_178 = tpu.memref_slice %arg5[%add3A_164, %dma_wait3A_177] : memref<128x200xi32, #tpu.memory_space<vmem>> -> memref<1x56xi32, #tpu.memory_space<vmem>>
      %dma_wait3A_179 = tpu.memref_squeeze %dma_wait3A_178 : memref<1x56xi32, #tpu.memory_space<vmem>> -> memref<56xi32, #tpu.memory_space<vmem>>
      %dma_wait3A_180 = arith.constant 0 : i32
      %dma_wait3A_181 = arith.constant 0 : i32
      %dma_wait3A_182 = tpu.memref_slice %arg3[%dma_wait3A_180, %dma_wait3A_181] : memref<200000x64xf32, #tpu.memory_space<hbm>> -> memref<200000x64xf32, #tpu.memory_space<hbm>>
      tpu.wait_indirect_dma semaphore(%arg10 : memref<!tpu.dma_semaphore, #tpu.memory_space<semaphore_mem>>) src(%dma_wait3A_182 : memref<200000x64xf32, #tpu.memory_space<hbm>>) dst(%dma_wait3A_176 : memref<56x64xf32, #tpu.memory_space<vmem>>)
      %dma_wait3A_183 = arith.constant 0 : i32
      %dma_wait3A_184 = arith.constant 0 : i32
      %dma_wait3A_185 = tpu.memref_slice %arg7[%dma_wait3A_183, %dma_wait3A_184] : memref<56x64xf32, #tpu.memory_space<vmem>> -> memref<56x64xf32, #tpu.memory_space<vmem>>
      %dma_wait3A_186 = arith.constant 112 : i32
      %dma_wait3A_187 = tpu.memref_slice %arg5[%add3A_164, %dma_wait3A_186] : memref<128x200xi32, #tpu.memory_space<vmem>> -> memref<1x56xi32, #tpu.memory_space<vmem>>
      %dma_wait3A_188 = tpu.memref_squeeze %dma_wait3A_187 : memref<1x56xi32, #tpu.memory_space<vmem>> -> memref<56xi32, #tpu.memory_space<vmem>>
      %dma_wait3A_189 = arith.constant 0 : i32
      %dma_wait3A_190 = arith.constant 0 : i32
      %dma_wait3A_191 = tpu.memref_slice %arg3[%dma_wait3A_189, %dma_wait3A_190] : memref<200000x64xf32, #tpu.memory_space<hbm>> -> memref<200000x64xf32, #tpu.memory_space<hbm>>
      tpu.wait_indirect_dma semaphore(%arg10 : memref<!tpu.dma_semaphore, #tpu.memory_space<semaphore_mem>>) src(%dma_wait3A_191 : memref<200000x64xf32, #tpu.memory_space<hbm>>) dst(%dma_wait3A_185 : memref<56x64xf32, #tpu.memory_space<vmem>>)
      %dma_wait3A_192 = arith.constant 0 : i32
      %dma_wait3A_193 = arith.constant 0 : i32
      %dma_wait3A_194 = tpu.memref_slice %arg7[%dma_wait3A_192, %dma_wait3A_193] : memref<56x64xf32, #tpu.memory_space<vmem>> -> memref<32x64xf32, #tpu.memory_space<vmem>>
      %dma_wait3A_195 = arith.constant 168 : i32
      %dma_wait3A_196 = tpu.memref_slice %arg5[%add3A_164, %dma_wait3A_195] : memref<128x200xi32, #tpu.memory_space<vmem>> -> memref<1x32xi32, #tpu.memory_space<vmem>>
      %dma_wait3A_197 = tpu.memref_squeeze %dma_wait3A_196 : memref<1x32xi32, #tpu.memory_space<vmem>> -> memref<32xi32, #tpu.memory_space<vmem>>
      %dma_wait3A_198 = arith.constant 0 : i32
      %dma_wait3A_199 = arith.constant 0 : i32
      %dma_wait3A_200 = tpu.memref_slice %arg3[%dma_wait3A_198, %dma_wait3A_199] : memref<200000x64xf32, #tpu.memory_space<hbm>> -> memref<200000x64xf32, #tpu.memory_space<hbm>>
      tpu.wait_indirect_dma semaphore(%arg10 : memref<!tpu.dma_semaphore, #tpu.memory_space<semaphore_mem>>) src(%dma_wait3A_200 : memref<200000x64xf32, #tpu.memory_space<hbm>>) dst(%dma_wait3A_194 : memref<32x64xf32, #tpu.memory_space<vmem>>)
      %add3A_201 = arith.constant 1 : i32
      %add3A_202 = arith.addi %mul3A_100, %add3A_201 : i32
      %scan3A_203 = arith.constant 0 : i32
      %scan3A_204 = arith.constant 56 : i32
      %scan3A_205 = arith.addi %scan3A_203, %scan3A_204 : i32
      %scan3A_206 = arith.constant 1 : i32
      %scan3A_207:4 = scf.for %scan3A_234 = %scan3A_203 to %scan3A_205 step %scan3A_206 iter_args(%scan3A_235 = %broadcast_in_dim3A_1, %scan3A_236 = %broadcast_in_dim3A_1, %scan3A_237 = %broadcast_in_dim3A_1, %scan3A_238 = %broadcast_in_dim3A_1) -> (vector<16xf32>, vector<16xf32>, vector<16xf32>, vector<16xf32>)  : i32 {
        %get3A = arith.index_cast %scan3A_234 : i32 to index
        %get3A_239 = arith.constant 0 : index
        %get3A_240 = tpu.vector_load %arg7[%get3A, %get3A_239] {strides = array<i32>} : memref<56x64xf32, #tpu.memory_space<vmem>>, vector<1x16xf32>,
        %get3A_241 = vector.shape_cast %get3A_240 : vector<1x16xf32> to vector<16xf32>
        %add3A_242 = arith.addf %scan3A_235, %get3A_241 : vector<16xf32>
        %get3A_243 = arith.index_cast %scan3A_234 : i32 to index
        %get3A_244 = arith.constant 16 : index
        %get3A_245 = tpu.vector_load %arg7[%get3A_243, %get3A_244] {strides = array<i32>} : memref<56x64xf32, #tpu.memory_space<vmem>>, vector<1x16xf32>,
        %get3A_246 = vector.shape_cast %get3A_245 : vector<1x16xf32> to vector<16xf32>
        %add3A_247 = arith.addf %scan3A_236, %get3A_246 : vector<16xf32>
        %get3A_248 = arith.index_cast %scan3A_234 : i32 to index
        %get3A_249 = arith.constant 32 : index
        %get3A_250 = tpu.vector_load %arg7[%get3A_248, %get3A_249] {strides = array<i32>} : memref<56x64xf32, #tpu.memory_space<vmem>>, vector<1x16xf32>,
        %get3A_251 = vector.shape_cast %get3A_250 : vector<1x16xf32> to vector<16xf32>
        %add3A_252 = arith.addf %scan3A_237, %get3A_251 : vector<16xf32>
        %get3A_253 = arith.index_cast %scan3A_234 : i32 to index
        %get3A_254 = arith.constant 48 : index
        %get3A_255 = tpu.vector_load %arg7[%get3A_253, %get3A_254] {strides = array<i32>} : memref<56x64xf32, #tpu.memory_space<vmem>>, vector<1x16xf32>,
        %get3A_256 = vector.shape_cast %get3A_255 : vector<1x16xf32> to vector<16xf32>
        %add3A_257 = arith.addf %scan3A_238, %get3A_256 : vector<16xf32>
        %swap3A_258 = arith.index_cast %scan3A_234 : i32 to index
        %swap3A_259 = arith.constant 0 : index
        %swap3A_260 = tpu.vector_load %arg7[%swap3A_258, %swap3A_259] {strides = array<i32>} : memref<56x64xf32, #tpu.memory_space<vmem>>, vector<1x16xf32>,
        %swap3A_261 = vector.shape_cast %swap3A_260 : vector<1x16xf32> to vector<16xf32>
        %swap3A_262 = vector.shape_cast %broadcast_in_dim3A_1 : vector<16xf32> to vector<1x16xf32>
        tpu.vector_store %arg7[%swap3A_258, %swap3A_259], %swap3A_262 {strides = array<i32>} : memref<56x64xf32, #tpu.memory_space<vmem>>, vector<1x16xf32>,
        %swap3A_263 = arith.index_cast %scan3A_234 : i32 to index
        %swap3A_264 = arith.constant 16 : index
        %swap3A_265 = tpu.vector_load %arg7[%swap3A_263, %swap3A_264] {strides = array<i32>} : memref<56x64xf32, #tpu.memory_space<vmem>>, vector<1x16xf32>,
        %swap3A_266 = vector.shape_cast %swap3A_265 : vector<1x16xf32> to vector<16xf32>
        %swap3A_267 = vector.shape_cast %broadcast_in_dim3A_1 : vector<16xf32> to vector<1x16xf32>
        tpu.vector_store %arg7[%swap3A_263, %swap3A_264], %swap3A_267 {strides = array<i32>} : memref<56x64xf32, #tpu.memory_space<vmem>>, vector<1x16xf32>,
        %swap3A_268 = arith.index_cast %scan3A_234 : i32 to index
        %swap3A_269 = arith.constant 32 : index
        %swap3A_270 = tpu.vector_load %arg7[%swap3A_268, %swap3A_269] {strides = array<i32>} : memref<56x64xf32, #tpu.memory_space<vmem>>, vector<1x16xf32>,
        %swap3A_271 = vector.shape_cast %swap3A_270 : vector<1x16xf32> to vector<16xf32>
        %swap3A_272 = vector.shape_cast %broadcast_in_dim3A_1 : vector<16xf32> to vector<1x16xf32>
        tpu.vector_store %arg7[%swap3A_268, %swap3A_269], %swap3A_272 {strides = array<i32>} : memref<56x64xf32, #tpu.memory_space<vmem>>, vector<1x16xf32>,
        %swap3A_273 = arith.index_cast %scan3A_234 : i32 to index
        %swap3A_274 = arith.constant 48 : index
        %swap3A_275 = tpu.vector_load %arg7[%swap3A_273, %swap3A_274] {strides = array<i32>} : memref<56x64xf32, #tpu.memory_space<vmem>>, vector<1x16xf32>,
        %swap3A_276 = vector.shape_cast %swap3A_275 : vector<1x16xf32> to vector<16xf32>
        %swap3A_277 = vector.shape_cast %broadcast_in_dim3A_1 : vector<16xf32> to vector<1x16xf32>
        tpu.vector_store %arg7[%swap3A_273, %swap3A_274], %swap3A_277 {strides = array<i32>} : memref<56x64xf32, #tpu.memory_space<vmem>>, vector<1x16xf32>,
        scf.yield %add3A_242, %add3A_247, %add3A_252, %add3A_257 : vector<16xf32>, vector<16xf32>, vector<16xf32>, vector<16xf32>
      }
      %scan3A_208 = arith.constant 56 : i32
      %swap3A_209 = arith.index_cast %add3A_202 : i32 to index
      %swap3A_210 = arith.constant 0 : index
      %swap3A_211 = tpu.vector_load %arg8[%swap3A_209, %swap3A_210] {strides = array<i32>} : memref<128x64xf32, #tpu.memory_space<vmem>>, vector<1x16xf32>,
      %swap3A_212 = vector.shape_cast %swap3A_211 : vector<1x16xf32> to vector<16xf32>
      %swap3A_213 = vector.shape_cast %scan3A_207#0 : vector<16xf32> to vector<1x16xf32>
      tpu.vector_store %arg8[%swap3A_209, %swap3A_210], %swap3A_213 {strides = array<i32>} : memref<128x64xf32, #tpu.memory_space<vmem>>, vector<1x16xf32>,
      %swap3A_214 = arith.index_cast %add3A_202 : i32 to index
      %swap3A_215 = arith.constant 16 : index
      %swap3A_216 = tpu.vector_load %arg8[%swap3A_214, %swap3A_215] {strides = array<i32>} : memref<128x64xf32, #tpu.memory_space<vmem>>, vector<1x16xf32>,
      %swap3A_217 = vector.shape_cast %swap3A_216 : vector<1x16xf32> to vector<16xf32>
      %swap3A_218 = vector.shape_cast %scan3A_207#1 : vector<16xf32> to vector<1x16xf32>
      tpu.vector_store %arg8[%swap3A_214, %swap3A_215], %swap3A_218 {strides = array<i32>} : memref<128x64xf32, #tpu.memory_space<vmem>>, vector<1x16xf32>,
      %swap3A_219 = arith.index_cast %add3A_202 : i32 to index
      %swap3A_220 = arith.constant 32 : index
      %swap3A_221 = tpu.vector_load %arg8[%swap3A_219, %swap3A_220] {strides = array<i32>} : memref<128x64xf32, #tpu.memory_space<vmem>>, vector<1x16xf32>,
      %swap3A_222 = vector.shape_cast %swap3A_221 : vector<1x16xf32> to vector<16xf32>
      %swap3A_223 = vector.shape_cast %scan3A_207#2 : vector<16xf32> to vector<1x16xf32>
      tpu.vector_store %arg8[%swap3A_219, %swap3A_220], %swap3A_223 {strides = array<i32>} : memref<128x64xf32, #tpu.memory_space<vmem>>, vector<1x16xf32>,
      %swap3A_224 = arith.index_cast %add3A_202 : i32 to index
      %swap3A_225 = arith.constant 48 : index
      %swap3A_226 = tpu.vector_load %arg8[%swap3A_224, %swap3A_225] {strides = array<i32>} : memref<128x64xf32, #tpu.memory_space<vmem>>, vector<1x16xf32>,
      %swap3A_227 = vector.shape_cast %swap3A_226 : vector<1x16xf32> to vector<16xf32>
      %swap3A_228 = vector.shape_cast %scan3A_207#3 : vector<16xf32> to vector<1x16xf32>
      tpu.vector_store %arg8[%swap3A_224, %swap3A_225], %swap3A_228 {strides = array<i32>} : memref<128x64xf32, #tpu.memory_space<vmem>>, vector<1x16xf32>,
      %lt3A_229 = arith.constant 63 : i32
      %lt3A_230 = arith.cmpi slt, %scan3A_98, %lt3A_229 : i32
      %convert_element_type3A_231 = arith.extui %lt3A_230 : i1 to i32
      %cond3A_232 = arith.constant 0 : i32
      %cond3A_233 = arith.cmpi ne, %convert_element_type3A_231, %cond3A_232 : i32
      scf.if %cond3A_233 {
        %add3A_234 = arith.constant 3 : i32
        %add3A_235 = arith.addi %mul3A_100, %add3A_234 : i32
        %dma_start3A_236 = arith.constant 0 : i32
        %dma_start3A_237 = arith.constant 0 : i32
        %dma_start3A_238 = tpu.memref_slice %arg7[%dma_start3A_236, %dma_start3A_237] : memref<56x64xf32, #tpu.memory_space<vmem>> -> memref<56x64xf32, #tpu.memory_space<vmem>>
        %dma_start3A_239 = arith.constant 0 : i32
        %dma_start3A_240 = tpu.memref_slice %arg5[%add3A_235, %dma_start3A_239] : memref<128x200xi32, #tpu.memory_space<vmem>> -> memref<1x56xi32, #tpu.memory_space<vmem>>
        %dma_start3A_241 = tpu.memref_squeeze %dma_start3A_240 : memref<1x56xi32, #tpu.memory_space<vmem>> -> memref<56xi32, #tpu.memory_space<vmem>>
        %dma_start3A_242 = arith.constant 0 : i32
        %dma_start3A_243 = arith.constant 0 : i32
        %dma_start3A_244 = tpu.memref_slice %arg3[%dma_start3A_242, %dma_start3A_243] : memref<200000x64xf32, #tpu.memory_space<hbm>> -> memref<200000x64xf32, #tpu.memory_space<hbm>>
        tpu.enqueue_indirect_dma source(%dma_start3A_244 : memref<200000x64xf32, #tpu.memory_space<hbm>>) target(%dma_start3A_238 : memref<56x64xf32, #tpu.memory_space<vmem>>) offsets(%dma_start3A_241 : memref<56xi32, #tpu.memory_space<vmem>>) semaphore(%arg10 : memref<!tpu.dma_semaphore, #tpu.memory_space<semaphore_mem>>) {add = true}
        %dma_start3A_245 = arith.constant 0 : i32
        %dma_start3A_246 = arith.constant 0 : i32
        %dma_start3A_247 = tpu.memref_slice %arg7[%dma_start3A_245, %dma_start3A_246] : memref<56x64xf32, #tpu.memory_space<vmem>> -> memref<56x64xf32, #tpu.memory_space<vmem>>
        %dma_start3A_248 = arith.constant 56 : i32
        %dma_start3A_249 = tpu.memref_slice %arg5[%add3A_235, %dma_start3A_248] : memref<128x200xi32, #tpu.memory_space<vmem>> -> memref<1x56xi32, #tpu.memory_space<vmem>>
        %dma_start3A_250 = tpu.memref_squeeze %dma_start3A_249 : memref<1x56xi32, #tpu.memory_space<vmem>> -> memref<56xi32, #tpu.memory_space<vmem>>
        %dma_start3A_251 = arith.constant 0 : i32
        %dma_start3A_252 = arith.constant 0 : i32
        %dma_start3A_253 = tpu.memref_slice %arg3[%dma_start3A_251, %dma_start3A_252] : memref<200000x64xf32, #tpu.memory_space<hbm>> -> memref<200000x64xf32, #tpu.memory_space<hbm>>
        tpu.enqueue_indirect_dma source(%dma_start3A_253 : memref<200000x64xf32, #tpu.memory_space<hbm>>) target(%dma_start3A_247 : memref<56x64xf32, #tpu.memory_space<vmem>>) offsets(%dma_start3A_250 : memref<56xi32, #tpu.memory_space<vmem>>) semaphore(%arg10 : memref<!tpu.dma_semaphore, #tpu.memory_space<semaphore_mem>>) {add = true}
        %dma_start3A_254 = arith.constant 0 : i32
        %dma_start3A_255 = arith.constant 0 : i32
        %dma_start3A_256 = tpu.memref_slice %arg7[%dma_start3A_254, %dma_start3A_255] : memref<56x64xf32, #tpu.memory_space<vmem>> -> memref<56x64xf32, #tpu.memory_space<vmem>>
        %dma_start3A_257 = arith.constant 112 : i32
        %dma_start3A_258 = tpu.memref_slice %arg5[%add3A_235, %dma_start3A_257] : memref<128x200xi32, #tpu.memory_space<vmem>> -> memref<1x56xi32, #tpu.memory_space<vmem>>
        %dma_start3A_259 = tpu.memref_squeeze %dma_start3A_258 : memref<1x56xi32, #tpu.memory_space<vmem>> -> memref<56xi32, #tpu.memory_space<vmem>>
        %dma_start3A_260 = arith.constant 0 : i32
        %dma_start3A_261 = arith.constant 0 : i32
        %dma_start3A_262 = tpu.memref_slice %arg3[%dma_start3A_260, %dma_start3A_261] : memref<200000x64xf32, #tpu.memory_space<hbm>> -> memref<200000x64xf32, #tpu.memory_space<hbm>>
        tpu.enqueue_indirect_dma source(%dma_start3A_262 : memref<200000x64xf32, #tpu.memory_space<hbm>>) target(%dma_start3A_256 : memref<56x64xf32, #tpu.memory_space<vmem>>) offsets(%dma_start3A_259 : memref<56xi32, #tpu.memory_space<vmem>>) semaphore(%arg10 : memref<!tpu.dma_semaphore, #tpu.memory_space<semaphore_mem>>) {add = true}
        %dma_start3A_263 = arith.constant 0 : i32
        %dma_start3A_264 = arith.constant 0 : i32
        %dma_start3A_265 = tpu.memref_slice %arg7[%dma_start3A_263, %dma_start3A_264] : memref<56x64xf32, #tpu.memory_space<vmem>> -> memref<32x64xf32, #tpu.memory_space<vmem>>
        %dma_start3A_266 = arith.constant 168 : i32
        %dma_start3A_267 = tpu.memref_slice %arg5[%add3A_235, %dma_start3A_266] : memref<128x200xi32, #tpu.memory_space<vmem>> -> memref<1x32xi32, #tpu.memory_space<vmem>>
        %dma_start3A_268 = tpu.memref_squeeze %dma_start3A_267 : memref<1x32xi32, #tpu.memory_space<vmem>> -> memref<32xi32, #tpu.memory_space<vmem>>
        %dma_start3A_269 = arith.constant 0 : i32
        %dma_start3A_270 = arith.constant 0 : i32
        %dma_start3A_271 = tpu.memref_slice %arg3[%dma_start3A_269, %dma_start3A_270] : memref<200000x64xf32, #tpu.memory_space<hbm>> -> memref<200000x64xf32, #tpu.memory_space<hbm>>
        tpu.enqueue_indirect_dma source(%dma_start3A_271 : memref<200000x64xf32, #tpu.memory_space<hbm>>) target(%dma_start3A_265 : memref<32x64xf32, #tpu.memory_space<vmem>>) offsets(%dma_start3A_268 : memref<32xi32, #tpu.memory_space<vmem>>) semaphore(%arg10 : memref<!tpu.dma_semaphore, #tpu.memory_space<semaphore_mem>>) {add = true}
      } else {
      }
    }
    %scan3A_97 = arith.constant 64 : i32
    "tpu.region"() ({
      %run_scoped3A = tpu.sem_alloc : memref<!tpu.dma_semaphore, #tpu.memory_space<semaphore_mem>>
      %dma_start3A_98 = arith.constant 0 : i32
      %dma_start3A_99 = arith.constant 0 : i32
      %dma_start3A_100 = tpu.memref_slice %arg4[%add3A, %dma_start3A_98, %dma_start3A_99] : memref<32x128x64xf32, #tpu.memory_space<hbm>> -> memref<1x128x64xf32, #tpu.memory_space<hbm>>
      %dma_start3A_101 = tpu.memref_squeeze %dma_start3A_100 : memref<1x128x64xf32, #tpu.memory_space<hbm>> -> memref<128x64xf32, #tpu.memory_space<hbm>>
      %dma_start3A_102 = arith.constant 0 : i32
      %dma_start3A_103 = arith.constant 0 : i32
      %dma_start3A_104 = tpu.memref_slice %arg4[%add3A, %dma_start3A_102, %dma_start3A_103] : memref<32x128x64xf32, #tpu.memory_space<hbm>> -> memref<1x128x64xf32, #tpu.memory_space<hbm>>
      %dma_start3A_105 = tpu.memref_squeeze %dma_start3A_104 : memref<1x128x64xf32, #tpu.memory_space<hbm>> -> memref<128x64xf32, #tpu.memory_space<hbm>>
      tpu.enqueue_dma source(%arg8 : memref<128x64xf32, #tpu.memory_space<vmem>>) target(%dma_start3A_105 : memref<128x64xf32, #tpu.memory_space<hbm>>) target_semaphore(%run_scoped3A : memref<!tpu.dma_semaphore, #tpu.memory_space<semaphore_mem>>)
      %dma_wait3A = arith.constant 0 : i32
      %dma_wait3A_106 = arith.constant 0 : i32
      %dma_wait3A_107 = tpu.memref_slice %arg4[%add3A, %dma_wait3A, %dma_wait3A_106] : memref<32x128x64xf32, #tpu.memory_space<hbm>> -> memref<1x128x64xf32, #tpu.memory_space<hbm>>
      %dma_wait3A_108 = tpu.memref_squeeze %dma_wait3A_107 : memref<1x128x64xf32, #tpu.memory_space<hbm>> -> memref<128x64xf32, #tpu.memory_space<hbm>>
      %dma_wait3A_109 = arith.constant 0 : i32
      %dma_wait3A_110 = arith.constant 0 : i32
      %dma_wait3A_111 = tpu.memref_slice %arg4[%add3A, %dma_wait3A_109, %dma_wait3A_110] : memref<32x128x64xf32, #tpu.memory_space<hbm>> -> memref<1x128x64xf32, #tpu.memory_space<hbm>>
      %dma_wait3A_112 = tpu.memref_squeeze %dma_wait3A_111 : memref<1x128x64xf32, #tpu.memory_space<hbm>> -> memref<128x64xf32, #tpu.memory_space<hbm>>
      tpu.wait_dma2 semaphore(%run_scoped3A : memref<!tpu.dma_semaphore, #tpu.memory_space<semaphore_mem>>) src(%arg8 : memref<128x64xf32, #tpu.memory_space<vmem>>) dst(%dma_wait3A_112 : memref<128x64xf32, #tpu.memory_space<hbm>>)
      tpu.yield
    }) : () -> ()
    return
  }
}

module attributes {stable_mosaic.version = 14 : i64} {
  func.func @_mlp_body(%arg0: i32, %arg1: memref<4x128x64xf32, #tpu.memory_space<vmem>>, %arg2: memref<512x1xf32, #tpu.memory_space<vmem>>, %arg3: memref<64x60xf32, #tpu.memory_space<vmem>>, %arg4: memref<1x60xf32, #tpu.memory_space<vmem>>, %arg5: memref<60x60xf32, #tpu.memory_space<vmem>>, %arg6: memref<1x60xf32, #tpu.memory_space<vmem>>, %arg7: memref<512x60xf32, #tpu.memory_space<vmem>>) attributes {dimension_semantics = [#tpu.dimension_semantics<arbitrary>], iteration_bounds = array<i64: 8>, scalar_prefetch = 0 : i64, scratch_operands = 0 : i64, tpu.core_type = #tpu.core_type<tc>, window_params = [{transform_indices = @transform_0, window_bounds = array<i64: 4, 128, 64>}, {transform_indices = @transform_1, window_bounds = array<i64: 512, 1>}, {pipeline_mode = #tpu.pipeline_mode<synchronous>, transform_indices = @transform_2, window_bounds = array<i64: 64, 60>}, {pipeline_mode = #tpu.pipeline_mode<synchronous>, transform_indices = @transform_3, window_bounds = array<i64: 1, 60>}, {pipeline_mode = #tpu.pipeline_mode<synchronous>, transform_indices = @transform_4, window_bounds = array<i64: 60, 60>}, {pipeline_mode = #tpu.pipeline_mode<synchronous>, transform_indices = @transform_5, window_bounds = array<i64: 1, 60>}, {transform_indices = @transform_6, window_bounds = array<i64: 512, 60>}]} {
    %get3A = arith.constant 0 : index
    %get3A_0 = arith.constant 0 : index
    %get3A_1 = arith.constant 0 : index
    %get3A_2 = vector.load %arg1[%get3A, %get3A_0, %get3A_1] : memref<4x128x64xf32, #tpu.memory_space<vmem>>, vector<4x128x64xf32>
    %reshape3A = vector.shape_cast %get3A_2 : vector<4x128x64xf32> to vector<512x64xf32>
    %get3A_3 = arith.constant 0 : index
    %get3A_4 = arith.constant 0 : index
    %get3A_5 = vector.load %arg2[%get3A_3, %get3A_4] : memref<512x1xf32, #tpu.memory_space<vmem>>, vector<512x1xf32>
    %div3A = vector.broadcast %get3A_5 : vector<512x1xf32> to vector<512x64xf32>
    %div3A_6 = arith.divf %reshape3A, %div3A : vector<512x64xf32>
    %get3A_7 = arith.constant 0 : index
    %get3A_8 = arith.constant 0 : index
    %get3A_9 = vector.load %arg3[%get3A_7, %get3A_8] : memref<64x60xf32, #tpu.memory_space<vmem>>, vector<64x60xf32>
    %dot_general3A = arith.constant dense<0.000000e+00> : vector<512x60xf32>
    %dot_general3A_10 = tpu.matmul %div3A_6, %get3A_9, %dot_general3A {dimension_numbers = #tpu.dot_dimension_numbers<[1], [0], [0], [1], [0, 0, 1, 1], [], []>, transpose_lhs_hint = false} : vector<512x64xf32>, vector<64x60xf32>, vector<512x60xf32> -> vector<512x60xf32>
    %get3A_11 = arith.constant 0 : index
    %get3A_12 = arith.constant 0 : index
    %get3A_13 = vector.load %arg4[%get3A_11, %get3A_12] : memref<1x60xf32, #tpu.memory_space<vmem>>, vector<1x60xf32>
    %add3A = vector.broadcast %get3A_13 : vector<1x60xf32> to vector<512x60xf32>
    %add3A_14 = arith.addf %dot_general3A_10, %add3A : vector<512x60xf32>
    %max3A = arith.constant 0.000000e+00 : f32
    %max3A_15 = vector.broadcast %max3A : f32 to vector<512x60xf32>
    %max3A_16 = arith.maximumf %add3A_14, %max3A_15 : vector<512x60xf32>
    %get3A_17 = arith.constant 0 : index
    %get3A_18 = arith.constant 0 : index
    %get3A_19 = vector.load %arg5[%get3A_17, %get3A_18] : memref<60x60xf32, #tpu.memory_space<vmem>>, vector<60x60xf32>
    %dot_general3A_20 = arith.constant dense<0.000000e+00> : vector<512x60xf32>
    %dot_general3A_21 = tpu.matmul %max3A_16, %get3A_19, %dot_general3A_20 {dimension_numbers = #tpu.dot_dimension_numbers<[1], [0], [0], [1], [0, 0, 1, 1], [], []>, transpose_lhs_hint = false} : vector<512x60xf32>, vector<60x60xf32>, vector<512x60xf32> -> vector<512x60xf32>
    %get3A_22 = arith.constant 0 : index
    %get3A_23 = arith.constant 0 : index
    %get3A_24 = vector.load %arg6[%get3A_22, %get3A_23] : memref<1x60xf32, #tpu.memory_space<vmem>>, vector<1x60xf32>
    %add3A_25 = vector.broadcast %get3A_24 : vector<1x60xf32> to vector<512x60xf32>
    %add3A_26 = arith.addf %dot_general3A_21, %add3A_25 : vector<512x60xf32>
    %swap3A = arith.constant 0 : index
    %swap3A_27 = arith.constant 0 : index
    %swap3A_28 = vector.load %arg7[%swap3A, %swap3A_27] : memref<512x60xf32, #tpu.memory_space<vmem>>, vector<512x60xf32>
    tpu.vector_store %arg7[%swap3A, %swap3A_27], %add3A_26 {strides = array<i32>} : memref<512x60xf32, #tpu.memory_space<vmem>>, vector<512x60xf32>,
    return
  }
  func.func @transform_0(%arg0: i32) -> (i32, i32, i32) {
    %c0_i32 = arith.constant 0 : i32
    %c0_i32_0 = arith.constant 0 : i32
    %c0_i32_1 = arith.constant 0 : i32
    return %arg0, %c0_i32, %c0_i32_0 : i32, i32, i32
  }
  func.func @transform_1(%arg0: i32) -> (i32, i32) {
    %c0_i32 = arith.constant 0 : i32
    %c0_i32_0 = arith.constant 0 : i32
    return %arg0, %c0_i32 : i32, i32
  }
  func.func @transform_2(%arg0: i32) -> (i32, i32) {
    %c0_i32 = arith.constant 0 : i32
    %c0_i32_0 = arith.constant 0 : i32
    %c0_i32_1 = arith.constant 0 : i32
    return %c0_i32, %c0_i32_0 : i32, i32
  }
  func.func @transform_3(%arg0: i32) -> (i32, i32) {
    %c0_i32 = arith.constant 0 : i32
    %c0_i32_0 = arith.constant 0 : i32
    %c0_i32_1 = arith.constant 0 : i32
    return %c0_i32, %c0_i32_0 : i32, i32
  }
  func.func @transform_4(%arg0: i32) -> (i32, i32) {
    %c0_i32 = arith.constant 0 : i32
    %c0_i32_0 = arith.constant 0 : i32
    %c0_i32_1 = arith.constant 0 : i32
    return %c0_i32, %c0_i32_0 : i32, i32
  }
  func.func @transform_5(%arg0: i32) -> (i32, i32) {
    %c0_i32 = arith.constant 0 : i32
    %c0_i32_0 = arith.constant 0 : i32
    %c0_i32_1 = arith.constant 0 : i32
    return %c0_i32, %c0_i32_0 : i32, i32
  }
  func.func @transform_6(%arg0: i32) -> (i32, i32) {
    %c0_i32 = arith.constant 0 : i32
    %c0_i32_0 = arith.constant 0 : i32
    return %arg0, %c0_i32 : i32, i32
  }
}

</mosaic_0001>

<sc_bundles>
// kernel: kernel.4.cloned.1.call-start
scs
__scs_entry_jumppad:
0x0: {  	(pc) =	sbr.rel $0x88, $3  }
0x1: {  	(tag) =	ssettag $0x0;
	lr =	simm.s32 $0x1  }
0x2: {  	[smem:$0x3F9A] =	sst lr;
	_ =	strace $0xD0000000  }
0x3: {  	_ = 	snop  }
0x4: {  	_ = 	snop  }
0x5: {  	_ = 	snop  }
0x6: {  	_ = 	snop  }
0x7: {  	_ = 	snop  }
__scs_overlays_trampoline_lowered:
0x8: {  	[smem:$0x3FA9] =	sst s0  }
0x9: {  	[smem:$0x3FAA] =	sst s1  }
0xa: {  	[smem:$0x3FAB] =	sst s2  }
0xb: {  	[smem:$0x3FAC] =	sst s3  }
0xc: {  	[smem:$0x3FAD] =	sst s4  }
0xd: {  	[smem:$0x3FAE] =	sst s5  }
0xe: {  	[smem:$0x3FAF] =	sst s6  }
0xf: {  	[smem:$0x3FB0] =	sst s7  }
0x10: {  	[smem:$0x3FB1] =	sst s8  }
0x11: {  	[smem:$0x3FB2] =	sst s9;
	s0 =	simm.s32 @!p0 $0x0  }
0x12: {  	s1 =	sld [smem:$0x3F98];
	s0 =	simm.s32 @p0 $0x1  }
0x13: {  	[smem:$0x3FB3] =	sst s0;
	s0 =	simm.s32 @!p1 $0x0  }
0x14: {  	s2 =	sld [smem:$0x3F97];
	s0 =	simm.s32 @p1 $0x1  }
0x15: {  	[smem:$0x3FB4] =	sst s0;
	s0 =	simm.s32 @!p2 $0x0  }
0x16: {  	s3 =	sld [smem:$0x3FDB];
	s0 =	simm.s32 @p2 $0x1  }
0x17: {  	s4 =	simm.s32 $0x1BF5;
	[smem:$0x3FB6] =	sst s0  }
0x18: {  	s0 =	sld [smem:$0x3F99];
	_ =	swait.ge [sflag:s4], $0x0  }
0x19: {  	s7 =	sld [smem:$0x3F9A]  }
0x1a: {  	s8 =	sadd.s32 $0xFFFFE003, lr  }
0x1b: {  	s9 =	sadd.s32 $0xFFFFFEF7, lr;
	s5 =	simm.s32 $0xFFFFFFFF;
	p2 =	slt.u32 s8, $0xFFFFF086  }
0x1c: {  	p1 =	slt.u32 s9, $0xF7A;
	s5 =	simm.s32 @!p2 $0x0  }
0x1d: {  	s5 =	simm.s32 @p1 $0x1;
	p0 =	seq.s32 s7, s2  }
0x1e: {  	s7 =	smul.u32 @!p0 $0xF7A, s2;
	p2 =	seq.s32 @!p0 s5, $0x0  }
0x1f: {  	s9 =	smul.u32 $0xF7A, s1;
	s8 =	simm.s32 @!p0 $0x1BF5;
	p2 =	por !p2, p0  }
0x20: {  	[sflag:s8] =	ssyncset.s32 @!p0 $0xFFFFF086;
	s6 =	sadd.s32 @!p0 s3, s7;
	s7 =	simm.s32 @!p0 $0x108  }
0x21: {  	s3 =	sadd.s32 s3, s9;
	s6 =	sadd.s32 @!p0 $0x88, s6;
	s7 =	simm.s32 @p2 $0x1082  }
0x22: {  	[simem:s7], [sflag:s8] =	dma.local @!p0 [hbm:s6], $0xF7A  }
0x23: {  	s9 =	sor.u32 $0xD0000000, s2;
	s6 =	simm.s32 $0x108;
	_ =	swait.ge @!p0 [sflag:s8], $0x0  }
0x24: {  	s3 =	sadd.s32 $0x88, s3;
	s6 =	simm.s32 @!p1 $0x1082;
	[sflag:s4] =	ssyncset.s32 $0xFFFFF086  }
0x25: {  	[simem:s6], [sflag:s4] =	dma.local [hbm:s3], $0xF7A  }
0x26: {  	[smem:$0x3F9A] =	sst s1;
	(tag) =	ssettag s2;
	_ =	strace s9  }
0x27: {  	s1 =	sld [smem:$0x3FAA]  }
0x28: {  	s2 =	sld [smem:$0x3FAB]  }
0x29: {  	s4 =	sld [smem:$0x3FAD]  }
0x2a: {  	p0 =	seq.s32 s5, $0x0;
	s5 =	sld [smem:$0x3FAE]  }
0x2b: {  	s6 =	sld [smem:$0x3FAF]  }
0x2c: {  	s7 =	sld [smem:$0x3FB0]  }
0x2d: {  	s3 =	simm.s32 $0x108;
	s8 =	sld [smem:$0x3FB1]  }
0x2e: {  	s3 =	simm.s32 @!p0 $0x1082;
	s9 =	sld [smem:$0x3FB2]  }
0x2f: {  	lr =	sadd.s32 s0, s3;
	s0 =	sld [smem:$0x3FA9]  }
0x30: {  	s3 =	sld [smem:$0x3FAC]  }
0x31: {  	[smem:$0x3FB5] =	sst s10  }
0x32: {  	s10 =	sld [smem:$0x3FB3];
	_ =	sdelay $0x3  }
0x33: {  	p0 =	seq.s32 s10, $0x1;
	s10 =	sld [smem:$0x3FB5];
	_ =	sdelay $0x3  }
0x34: {  	[smem:$0x3FB5] =	sst s10  }
0x35: {  	s10 =	sld [smem:$0x3FB4];
	_ =	sdelay $0x3  }
0x36: {  	p1 =	seq.s32 s10, $0x1;
	s10 =	sld [smem:$0x3FB5];
	_ =	sdelay $0x3  }
0x37: {  	[smem:$0x3FB5] =	sst s10  }
0x38: {  	s10 =	sld [smem:$0x3FB6]  }
0x39: {  	_ = 	snop;
	(pc) =	sbr.ind lr, $3  }
0x3a: {  	_ = 	snop  }
0x3b: {  	_ = 	snop  }
0x3c: {  	p2 =	seq.s32 s10, $0x1;
	s10 =	sld [smem:$0x3FB5]  }
0x3d: {  	_ =	shalt  }
0x3e: {  	_ =	shalt  }
0x3f: {  	_ =	shalt  }
0x40: {  	_ =	shalt  }
0x41: {  	_ =	shalt  }
0x42: {  	_ =	shalt  }
0x43: {  	_ =	shalt  }
0x44: {  	_ =	shalt  }
0x45: {  	_ =	shalt  }
0x46: {  	_ =	shalt  }
0x47: {  	_ =	shalt  }
0x48: {  	_ =	shalt  }
0x49: {  	_ =	shalt  }
0x4a: {  	_ =	shalt  }
0x4b: {  	_ =	shalt  }
0x4c: {  	_ =	shalt  }
0x4d: {  	_ =	shalt  }
0x4e: {  	_ =	shalt  }
0x4f: {  	_ =	shalt  }
0x50: {  	_ =	shalt  }
0x51: {  	_ =	shalt  }
0x52: {  	_ =	shalt  }
0x53: {  	_ =	shalt  }
0x54: {  	_ =	shalt  }
0x55: {  	_ =	shalt  }
0x56: {  	_ =	shalt  }
0x57: {  	_ =	shalt  }
0x58: {  	_ =	shalt  }
0x59: {  	_ =	shalt  }
0x5a: {  	_ =	shalt  }
0x5b: {  	_ =	shalt  }
0x5c: {  	_ =	shalt  }
0x5d: {  	_ =	shalt  }
0x5e: {  	_ =	shalt  }
0x5f: {  	_ =	shalt  }
0x60: {  	_ =	shalt  }
0x61: {  	_ =	shalt  }
0x62: {  	_ =	shalt  }
0x63: {  	_ =	shalt  }
0x64: {  	_ =	shalt  }
0x65: {  	_ =	shalt  }
0x66: {  	_ =	shalt  }
0x67: {  	_ =	shalt  }
0x68: {  	_ =	shalt  }
0x69: {  	_ =	shalt  }
0x6a: {  	_ =	shalt  }
0x6b: {  	_ =	shalt  }
0x6c: {  	_ =	shalt  }
0x6d: {  	_ =	shalt  }
0x6e: {  	_ =	shalt  }
0x6f: {  	_ =	shalt  }
0x70: {  	_ =	shalt  }
0x71: {  	_ =	shalt  }
0x72: {  	_ =	shalt  }
0x73: {  	_ =	shalt  }
0x74: {  	_ =	shalt  }
0x75: {  	_ =	shalt  }
0x76: {  	_ =	shalt  }
0x77: {  	_ =	shalt  }
0x78: {  	_ =	shalt  }
0x79: {  	_ =	shalt  }
0x7a: {  	_ =	shalt  }
0x7b: {  	_ =	shalt  }
0x7c: {  	_ =	shalt  }
0x7d: {  	_ =	shalt  }
0x7e: {  	_ =	shalt  }
0x7f: {  	_ =	shalt  }
0x80: {  	_ =	shalt  }
0x81: {  	_ =	shalt  }
0x82: {  	_ =	shalt  }
0x83: {  	_ =	shalt  }
0x84: {  	_ =	shalt  }
0x85: {  	_ =	shalt  }
0x86: {  	_ =	shalt  }
0x87: {  	_ =	shalt  }
.Lfunc_end0:
.L_simem_size_0:
called_computation_lowered:
.L_overlay_start_0:
0x88: {  	s2 =	sld [smem:$0x3FD9]  }
0x89: {  	s3 =	sld [smem:$0x3FFE];
	_ =	sdelay $0x1  }
0x8a: {  	s1 =	srdreg.scid  }
0x8b: {  	s0 =	sand.u32 $0x1, s1  }
0x8c: {  	s17 =	sshll.u32 s0, $0xA;
	s2 =	sadd.s32 s3, s2  }
0x8d: {  	s2 =	sadd.s32 s2, s17  }
0x8e: {  	[smem:$0x3FC1] =	sst s2  }
0x8f: {  	_ = 	snop  }
0x90: {  	s2 =	sld [smem:$0x3FD0];
	(tm) =	ssettm $0x1  }
0x91: {  	s18 =	sld [smem:$0x3FFB];
	_ =	sdelay $0x3  }
0x92: {  	_ =	strace s18  }
0x93: {  	s3 =	sld [smem:$0x3FFC];
	_ =	sdelay $0x3  }
0x94: {  	_ =	strace s3  }
0x95: {  	s3 =	sld [smem:$0x3FFD];
	_ =	sdelay $0x3  }
0x96: {  	_ =	strace s3  }
0x97: {  	_ =	strace $0x8FFFFFFF  }
0x98: {  	s19 =	sld [smem:$0x3FDB];
	_ =	sdelay $0x1  }
0x99: {  	s4 =	simm.s32 $_scs_section_size  }
0x9a: {  	s5 =	simm.s32 $_size__tile_overlayer_lowered;
	s6 =	simm.s32 $_tile_overlayer_lowered  }
0x9b: {  	s22 =	simm.s32 $0x1BFF;
	s21 =	sshll.u32 s6, $0x1;
	s3 =	sadd.s32 s4, s19  }
0x9c: {  	s7 =	simm.s32 $0x0;
	s20 =	sshll.u32 s5, $0x1;
	s5 =	sadd.s32 s21, s3  }
0x9d: {  	[timem:s7], [sflag:s22] =	dma.local [hbm:s5], s20  }
0x9e: {  	_ =	swait.ge [sflag:s22], s20  }
0x9f: {  	s4 =	ssub.s32 $0x0, s20;
	[sflag:s22] =	ssyncset.done $0x0  }
0xa0: {  	[sflag:s22] =	ssyncadd.s32 s4;
	_ =	sdelay $0x1  }
0xa1: {  	s23 =	simm.s32 $0x1B8B  }
0xa2: {  	_ =	swait.ge [sflag:s23], $0x1  }
0xa3: {  	[sflag:s23] =	ssyncset.done $0x0  }
0xa4: {  	s25 =	simm.s32 $0x1B8E;
	s24 =	sld [smem:$0x3FFE];
	[sflag:s23] =	ssyncadd.s32 $0xFFFFFFFF  }
0xa5: {  	s26 =	simm.s32 $execute0_lowered;
	[smem:$0x3FD2] =	sst s25  }
0xa6: {  	s5 =	sshll.u32 s26, $0x1;
	_ =	strace $0x80000046;
	[dreg:$0x1] =	wrdreg $0xFFFFFFFF  }
0xa7: {  	s28 =	simm.s32 $_size_execute0_lowered;
	s3 =	sadd.s32 s3, s5;
	[dreg:$0x0] =	wrdreg $0x0  }
0xa8: {  	s5 =	sshll.u32 s28, $0x1;
	[dreg:$0x2] =	wrdreg s3  }
0xa9: {  	[dreg:$0x3] =	wrdreg s5  }
0xaa: {  	[dreg:$0x4] =	wrdreg $0xC0  }
0xab: {  	_ =	task [dreg:s7], $0x5FFFF  }
0xac: {  	[dreg:$0x1] =	wrdreg $0xFFFFFFFF  }
0xad: {  	[dreg:$0x0] =	wrdreg $0x60  }
0xae: {  	[dreg:$0x2] =	wrdreg s24  }
0xaf: {  	[dreg:$0x3] =	wrdreg s2  }
0xb0: {  	[dreg:$0x4] =	wrdreg $0x9  }
0xb1: {  	_ =	task.clear_ibuf [dreg:s7], $0x5FFFF;
	_ =	strace $0x90000046  }
0xb2: {  	s29 =	simm.s32 $0x9;
	_ =	strace $0x80000048  }
0xb3: {  	_ =	swait.ge [sflag:s29], $0x1  }
0xb4: {  	[sflag:s29] =	ssyncadd.s32 $0xFFFFFFFF  }
0xb5: {  	_ =	strace $0x90000048  }
0xb6: {  	_ =	sfence  }
0xb7: {  	s30 =	sld [smem:$0x0];
	_ =	sdelay $0x2  }
0xb8: {  	s31 =	sshll.u32 s1, $0xD;
	s1 =	sshrl.u32 s1, $0x2  }
0xb9: {  	s3 =	sand.u32 $0x4000, s31;
	s1 =	sadd.s32 s1, s30  }
0xba: {  	s0 =	sor.u32 s3, s0;
	s1 =	sshll.u32 s1, $0x11  }
0xbb: {  	s0 =	sor.u32 s1, s0  }
0xbc: {  	s0 =	sadd.s32 $0x8F2B, s0  }
0xbd: {  	[sflag:s0] =	ssyncadd.remote.s32 $0x1  }
0xbe: {  	_ =	sfence.sel $0xFFFF  }
0xbf: {  	[dreg:$0x0] =	wrdreg $0xFFFFFFFF;
	(pc) =	sbr.abs _section_cstart, $3  }
0xc0: {  	[dreg:$0x1] =	wrdreg $0xFFFFFFFF  }
0xc1: {  	_ =	task.clear_ibuf [dreg:s7], $0x2FFFF;
	_ =	strace $0x9FFFFFFF  }
0xc2: {  	(tm) =	ssettm $0x7FFFFFFF  }
0xc3: {  	_ =	shalt  }
tec
execute0_lowered:
.L_overlay_start_1:
0x0: {  	(tag) =	ssettag $0x1  }
0x1: {  	s1 =	srdreg.scid;
	s3 =	rddreg [dreg:$0x0]  }
0x2: {  	s0 =	stileid.u32;
	s5 =	rddreg [dreg:$0x1]  }
0x3: {  	s2 =	simm.s32 $0x0;
	s9 =	simm.s32 $0x6400;
	s10 =	simm.s32 $0x70  }
0x4: {  	s11 =	simm.s32 $0x20;
	s12 =	simm.s32 $0xA8;
	s13 =	simm.s32 $0xC8  }
0x5: {  	s14 =	simm.s32 $0x7200;
	s15 =	simm.s32 $0x100;
	s16 =	simm.s32 $0x138  }
0x6: {  	s17 =	simm.s32 $0x170;
	s18 =	simm.s32 $0x1;
	s19 =	simm.s32 $0x2  }
0x7: {  	s20 =	simm.s32 $0x8000;
	s4 =	sand.u32 $0x1, s1;
	s1 =	rddreg [dreg:$0x2]  }
0x8: {  	s21 =	simm.s32 $0x0;
	s31 =	sshll.u32 s0, $0x1;
	[smem:$0x7FF] =	sst s2  }
.Ltmp0:
0x9: {  	s6 =	sor.u32 s4, s31;
	s4 =	ssub.s32 $0x2, s4;
	(pc) =	sbr.rel .LBB2_1-.Ltmp0, $4  }
0xa: {  	s7 =	smul.u32 $0xC80, s6;
	s8 =	sshrl.u32 s4, $0x1;
	s6 =	sshll.u32 s6, $0xA  }
0xb: {  	_ =	strace $0x80000047;
	s8 =	ssub.s32 s4, s8;
	s5 =	sadd.s32 s5, s6  }
0xc: {  	s7 =	sadd.s32 s7, s3;
	s3 =	sadd.s32 $0x1A0A00, s3;
	s6 =	smax.u32 s8, $0x1  }
0xd: {  	v0 =	vimm.f32 $0.0e+00;
	s8 =	simm.s32 $0x38;
	s4 =	sadd.s32 $0x187A00, s7;
	s7 =	simm.s32 $0x3  }
.LBB2_12:
0xe: {  	s21 =	sadd.s32 $0x1, s21  }
0xf: {  	p0 =	sne.s32 s21, s6  }
.Ltmp1:
0x10: {  	_ = 	snop;
	(pc) =	sbr.rel @!p0 .LBB2_13-.Ltmp1, $4  }
0x11: {  	[hbm4b:s5+s2] =	stream.linear.scatter [tilespmem:s20], [sflag:$0x3], $0x2000, $0x38;
	[tilespmem:$0xA000] =	vst v63  }
0x12: {  	_ =	swait.ge [sflag:s7], $0x2000  }
0x13: {  	[sflag:s7] =	ssyncset.done $0x0  }
0x14: {  	[sflag:s7] =	ssyncadd.s32 $0xFFFFE000  }
.LBB2_1:
0x15: {  	[tilespmem:s2], [sflag:$0x3] =	stream.linear.gather [hbm4b:s4+s2], $0x6400, $0x38;
	[tilespmem:$0xA000] =	vst v63  }
0x16: {  	_ =	swait.ge [sflag:s7], $0x6400  }
0x17: {  	[sflag:s7] =	ssyncset.done $0x0  }
0x18: {  	s22 =	simm.s32 $0x0;
	[sflag:s7] =	ssyncadd.s32 $0xFFFF9C00  }
.LBB2_2:
0x19: {  	p0 =	sne.s32 s22, $0x3700  }
.Ltmp2:
0x1a: {  	s23 =	sshra.s32 s22, $0x2;
	(pc) =	sbr.rel @p0 .LBB2_2-.Ltmp2, $4  }
0x1b: {  	[tilespmem:s23+$0x6400] =	vst v0  }
0x1c: {  	[tilespmem:s23+$0x6410] =	vst v0  }
0x1d: {  	[tilespmem:s23+$0x6420] =	vst v0  }
0x1e: {  	s22 =	sadd.s32 $0x100, s22;
	[tilespmem:s23+$0x6430] =	vst v0  }
0x1f: {  	s23 =	simm.s32 $0x100;
	s22 =	simm.s32 $0x0  }
.LBB2_4:
0x20: {  	p0 =	sne.s32 s23, $0x3700;
	[tilespmem:s22+$0x7230] =	vst v0;
	s24 =	smov.u32 s23;
	s23 =	sadd.s32 $0x100, s23  }
.Ltmp3:
0x21: {  	[tilespmem:s22+$0x7220] =	vst v0;
	(pc) =	sbr.rel @p0 .LBB2_4-.Ltmp3, $3  }
0x22: {  	[tilespmem:s22+$0x7200] =	vst v0  }
0x23: {  	[tilespmem:s22+$0x7210] =	vst v0;
	_ =	sdelay $0x1  }
0x24: {  	s22 =	sshra.s32 s24, $0x2  }
0x25: {  	[tilespmem:s22+$0x7230] =	vst v0  }
0x26: {  	[tilespmem:s22+$0x7220] =	vst v0  }
0x27: {  	[tilespmem:s22+$0x7200] =	vst v0  }
0x28: {  	[tilespmem:s22+$0x7210] =	vst v0;
	s22 =	simm.s32 $0x0  }
0x29: {  	[tilespmem:s9], [sflag:$0x1] =	stream.indirect.gather.add.f32 [hbm:s3], $0x40, s22, s8, $0xb8;
	[tilespmem:$0xA000] =	vst v63  }
0x2a: {  	_ = 	snop  }
0x2b: {  	[tilespmem:s9], [sflag:$0x1] =	stream.indirect.gather.add.f32 [hbm:s3], $0x40, s8, s8, $0xb8;
	[tilespmem:$0xA000] =	vst v63  }
0x2c: {  	_ = 	snop  }
0x2d: {  	[tilespmem:s9], [sflag:$0x1] =	stream.indirect.gather.add.f32 [hbm:s3], $0x40, s10, s8, $0xb8;
	[tilespmem:$0xA000] =	vst v63  }
0x2e: {  	_ = 	snop  }
0x2f: {  	[tilespmem:s9], [sflag:$0x1] =	stream.indirect.gather.add.f32 [hbm:s3], $0x40, s12, s11, $0xb8;
	[tilespmem:$0xA000] =	vst v63  }
0x30: {  	_ = 	snop  }
0x31: {  	[tilespmem:s14], [sflag:$0x2] =	stream.indirect.gather.add.f32 [hbm:s3], $0x40, s13, s8, $0xb8;
	[tilespmem:$0xA000] =	vst v63  }
0x32: {  	_ = 	snop  }
0x33: {  	[tilespmem:s14], [sflag:$0x2] =	stream.indirect.gather.add.f32 [hbm:s3], $0x40, s15, s8, $0xb8;
	[tilespmem:$0xA000] =	vst v63  }
0x34: {  	_ = 	snop  }
0x35: {  	[tilespmem:s14], [sflag:$0x2] =	stream.indirect.gather.add.f32 [hbm:s3], $0x40, s16, s8, $0xb8;
	[tilespmem:$0xA000] =	vst v63  }
0x36: {  	_ = 	snop  }
0x37: {  	[tilespmem:s14], [sflag:$0x2] =	stream.indirect.gather.add.f32 [hbm:s3], $0x40, s17, s11, $0xb8;
	[tilespmem:$0xA000] =	vst v63  }
.LBB2_6:
0x38: {  	_ =	swait.ge [sflag:s18], $0xE00  }
0x39: {  	[sflag:s18] =	ssyncset.done $0x0  }
0x3a: {  	[sflag:s18] =	ssyncadd.s32 $0xFFFFF200  }
0x3b: {  	_ =	swait.ge [sflag:s18], $0xE00  }
0x3c: {  	[sflag:s18] =	ssyncset.done $0x0  }
0x3d: {  	[sflag:s18] =	ssyncadd.s32 $0xFFFFF200  }
0x3e: {  	_ =	swait.ge [sflag:s18], $0xE00  }
0x3f: {  	[sflag:s18] =	ssyncset.done $0x0  }
0x40: {  	[sflag:s18] =	ssyncadd.s32 $0xFFFFF200  }
0x41: {  	_ =	swait.ge [sflag:s18], $0x800  }
0x42: {  	[sflag:s18] =	ssyncset.done $0x0  }
0x43: {  	s23 =	simm.s32 $0x0;
	[sflag:s18] =	ssyncadd.s32 $0xFFFFF800  }
0x44: {  	v4 =	vld [tilespmem:s23+$0x6400];
	[tilespmem:s23+$0x6400] =	vst v0  }
0x45: {  	v6 =	vimm.f32 $0.0e+00;
	v1 =	vld [tilespmem:s23+$0x6410];
	[tilespmem:s23+$0x6410] =	vst v0  }
0x46: {  	s24 =	simm.s32 $0x100;
	v7 =	vimm.f32 $0.0e+00;
	v5 =	vimm.f32 $0.0e+00;
	v3 =	vimm.f32 $0.0e+00;
	v2 =	vld [tilespmem:s23+$0x6420];
	[tilespmem:s23+$0x6420] =	vst v0  }
.LBB2_7:
0x47: {  	p0 =	sne.s32 s24, $0x3700;
	v8 =	vld [tilespmem:s23+$0x6430];
	[tilespmem:s23+$0x6430] =	vst v0;
	s23 =	smov.u32 s24;
	s24 =	sadd.s32 $0x100, s24  }
.Ltmp4:
0x48: {  	(pc) =	sbr.rel @p0 .LBB2_7-.Ltmp4, $4  }
0x49: {  	s23 =	sshra.s32 s23, $0x2;
	v6 =	vadd.f32 v4, v6  }
0x4a: {  	v4 =	vld [tilespmem:s23+$0x6400];
	[tilespmem:s23+$0x6400] =	vst v0;
	v7 =	vadd.f32 v1, v7  }
0x4b: {  	v1 =	vld [tilespmem:s23+$0x6410];
	[tilespmem:s23+$0x6410] =	vst v0;
	v5 =	vadd.f32 v2, v5  }
0x4c: {  	v2 =	vld [tilespmem:s23+$0x6420];
	[tilespmem:s23+$0x6420] =	vst v0;
	v3 =	vadd.f32 v8, v3  }
0x4d: {  	v8 =	vld [tilespmem:s23+$0x6430];
	_ =	sdelay $0x1  }
0x4e: {  	s24 =	sshll.u32 s22, $0x7;
	v4 =	vadd.f32 v4, v6  }
0x4f: {  	[tilespmem:s23+$0x6430] =	vst v0;
	p0 =	seq.s32 s22, $0x3F;
	s23 =	sand.u32 $0x3FFFFF80, s24;
	v1 =	vadd.f32 v1, v7  }
0x50: {  	s24 =	smul.u32 @!p0 $0x640, s22;
	v2 =	vadd.f32 v2, v5;
	[tilespmem:s23+$0x8000] =	vst v4  }
0x51: {  	v3 =	vadd.f32 v8, v3;
	[tilespmem:s23+$0x8010] =	vst v1  }
0x52: {  	s24 =	sshra.s32 @!p0 s24, $0x2;
	[tilespmem:s23+$0x8020] =	vst v2  }
0x53: {  	s26 =	simm.s32 @!p0 $0x38;
	s28 =	simm.s32 @!p0 $0x6400;
	s25 =	sadd.s32 @!p0 $0x190, s24;
	[tilespmem:s23+$0x8030] =	vst v3  }
0x54: {  	[tilespmem:s28], [sflag:$0x1] =	stream.indirect.gather.add.f32 @!p0 [hbm:s3], $0x40, s25, s26, $0xb8;
	[tilespmem:$0xA000] =	vst v63  }
0x55: {  	s25 =	sadd.s32 @!p0 $0x1C8, s24  }
0x56: {  	[tilespmem:s28], [sflag:$0x1] =	stream.indirect.gather.add.f32 @!p0 [hbm:s3], $0x40, s25, s26, $0xb8;
	[tilespmem:$0xA000] =	vst v63  }
0x57: {  	s25 =	sadd.s32 @!p0 $0x200, s24  }
0x58: {  	[tilespmem:s28], [sflag:$0x1] =	stream.indirect.gather.add.f32 @!p0 [hbm:s3], $0x40, s25, s26, $0xb8;
	[tilespmem:$0xA000] =	vst v63  }
0x59: {  	s24 =	sadd.s32 @!p0 $0x238, s24;
	s25 =	simm.s32 @!p0 $0x20  }
0x5a: {  	[tilespmem:s28], [sflag:$0x1] =	stream.indirect.gather.add.f32 @!p0 [hbm:s3], $0x40, s24, s25, $0xb8;
	[tilespmem:$0xA000] =	vst v63  }
0x5b: {  	_ =	swait.ge [sflag:s19], $0xE00  }
0x5c: {  	[sflag:s19] =	ssyncset.done $0x0  }
0x5d: {  	[sflag:s19] =	ssyncadd.s32 $0xFFFFF200  }
0x5e: {  	_ =	swait.ge [sflag:s19], $0xE00  }
0x5f: {  	[sflag:s19] =	ssyncset.done $0x0  }
0x60: {  	[sflag:s19] =	ssyncadd.s32 $0xFFFFF200  }
0x61: {  	_ =	swait.ge [sflag:s19], $0xE00  }
0x62: {  	[sflag:s19] =	ssyncset.done $0x0  }
0x63: {  	[sflag:s19] =	ssyncadd.s32 $0xFFFFF200  }
0x64: {  	_ =	swait.ge [sflag:s19], $0x800  }
0x65: {  	[sflag:s19] =	ssyncset.done $0x0  }
0x66: {  	s24 =	simm.s32 $0x0;
	[sflag:s19] =	ssyncadd.s32 $0xFFFFF800  }
0x67: {  	v1 =	vld [tilespmem:s24+$0x7200];
	[tilespmem:s24+$0x7200] =	vst v0  }
0x68: {  	v6 =	vimm.f32 $0.0e+00;
	v2 =	vld [tilespmem:s24+$0x7210];
	[tilespmem:s24+$0x7210] =	vst v0  }
0x69: {  	v7 =	vimm.f32 $0.0e+00;
	v5 =	vimm.f32 $0.0e+00;
	v3 =	vimm.f32 $0.0e+00;
	s25 =	simm.s32 $0x100;
	v4 =	vld [tilespmem:s24+$0x7220];
	[tilespmem:s24+$0x7220] =	vst v0  }
.LBB2_9:
0x6a: {  	p1 =	sne.s32 s25, $0x3700;
	v8 =	vld [tilespmem:s24+$0x7230];
	[tilespmem:s24+$0x7230] =	vst v0;
	s24 =	smov.u32 s25;
	s25 =	sadd.s32 $0x100, s25  }
.Ltmp5:
0x6b: {  	(pc) =	sbr.rel @p1 .LBB2_9-.Ltmp5, $4  }
0x6c: {  	s24 =	sshra.s32 s24, $0x2;
	v3 =	vadd.f32 v1, v3  }
0x6d: {  	v1 =	vld [tilespmem:s24+$0x7200];
	[tilespmem:s24+$0x7200] =	vst v0;
	v6 =	vadd.f32 v2, v6  }
0x6e: {  	v2 =	vld [tilespmem:s24+$0x7210];
	[tilespmem:s24+$0x7210] =	vst v0;
	v7 =	vadd.f32 v4, v7  }
0x6f: {  	v4 =	vld [tilespmem:s24+$0x7220];
	[tilespmem:s24+$0x7220] =	vst v0;
	v5 =	vadd.f32 v8, v5  }
0x70: {  	v8 =	vld [tilespmem:s24+$0x7230];
	_ =	sdelay $0x1  }
0x71: {  	v1 =	vadd.f32 v1, v3  }
.Ltmp6:
0x72: {  	[tilespmem:s24+$0x7230] =	vst v0;
	v2 =	vadd.f32 v2, v6;
	(pc) =	sbr.rel @p0 .LBB2_12-.Ltmp6, $4  }
0x73: {  	v3 =	vadd.f32 v4, v7;
	[tilespmem:s23+$0x8040] =	vst v1  }
0x74: {  	v1 =	vadd.f32 v8, v5;
	[tilespmem:s23+$0x8050] =	vst v2  }
0x75: {  	[tilespmem:s23+$0x8060] =	vst v3  }
0x76: {  	[tilespmem:s23+$0x8070] =	vst v1  }
0x77: {  	s23 =	smul.u32 $0x640, s22;
	_ =	sdelay $0x1  }
0x78: {  	s23 =	sshra.s32 s23, $0x2  }
0x79: {  	s24 =	sadd.s32 $0x258, s23  }
0x7a: {  	[tilespmem:s14], [sflag:$0x2] =	stream.indirect.gather.add.f32 [hbm:s3], $0x40, s24, s8, $0xb8;
	[tilespmem:$0xA000] =	vst v63  }
0x7b: {  	s30 =	sadd.s32 $0x290, s23  }
0x7c: {  	[tilespmem:s14], [sflag:$0x2] =	stream.indirect.gather.add.f32 [hbm:s3], $0x40, s30, s8, $0xb8;
	[tilespmem:$0xA000] =	vst v63  }
.Ltmp7:
0x7d: {  	_ = 	snop;
	(pc) =	sbr.rel .LBB2_6-.Ltmp7, $4  }
0x7e: {  	s31 =	sadd.s32 $0x2C8, s23  }
0x7f: {  	[tilespmem:s14], [sflag:$0x2] =	stream.indirect.gather.add.f32 [hbm:s3], $0x40, s31, s8, $0xb8;
	[tilespmem:$0xA000] =	vst v63  }
0x80: {  	s22 =	sadd.s32 $0x1, s22;
	s23 =	sadd.s32 $0x300, s23  }
0x81: {  	[tilespmem:s14], [sflag:$0x2] =	stream.indirect.gather.add.f32 [hbm:s3], $0x40, s23, s11, $0xb8;
	[tilespmem:$0xA000] =	vst v63  }
.LBB2_13:
0x82: {  	_ =	sfence.sel $0x180000  }
0x83: {  	[bflag:$0x0] =	sbarrier.arrive $0xFFFF  }
0x84: {  	p0 =	sne.s32 s0, $0x0;
	_ =	strace $0x90000047  }
0x85: {  	s0 =	sadd.s32 @!p0 $0x100000, s1;
	[bflag:$0x2] =	sbarrier.arrive $0xFFFF  }
0x86: {  	[sflag:s0] =	ssyncadd.tile.s32 @!p0 $0x1;
	_ =	shalt  }
.Lfunc_end2:
_tile_overlayer_lowered:
.L_overlay_start_2:
0x87: {  	(tag) =	ssettag $0x2  }
0x88: {  	s0 =	rddreg [dreg:$0x0];
	s2 =	stileid.u32  }
0x89: {  	s1 =	rddreg [dreg:$0x1];
	p0 =	sne.s32 s2, $0x0  }
0x8a: {  	s3 =	rddreg [dreg:$0x2];
	[bflag:$0x3] =	sbarrier.arrive $0xFFFF;
	s2 =	simm.s32 @!p0 $0x1C03  }
0x8b: {  	[timem:s3], [sflag:s2] =	dma.local @!p0 [hbm:s0], s1  }
0x8c: {  	s0 =	simm.s32 @!p0 $0x3  }
0x8d: {  	_ =	swait.ge @!p0 [sflag:s0], s1  }
0x8e: {  	s1 =	ssub.s32 @!p0 $0x0, s1;
	[sflag:s0] =	ssyncset.done @!p0 $0x0  }
0x8f: {  	[sflag:s0] =	ssyncadd.s32 @!p0 s1  }
0x90: {  	[bflag:$0x3] =	sbarrier.arrive $0xFFFF  }
0x91: {  	_ =	shalt  }

</sc_bundles>
